<compile_context>
chip_gen: v7x
topology: tpu7x:2x2x1
jax: 0.10.2.dev20260603
libtpu: 0.0.44.dev20260713+nightly
codegen_flags: <defaults>
</compile_context>

<pallas_src>
import functools

import jax
import jax.numpy as jnp
from jax import lax
from jax.experimental import pallas as pl
from jax.experimental.pallas import tpu as pltpu
from jax.experimental.pallas import tpu_sc as plsc

_EPS = 1e-5
_NC = 2
_NS = 16
_NW = _NC * _NS
_LANES = 16


@functools.lru_cache(maxsize=None)
def _make_edge_kernel(n_nodes: int, n_edges: int):
    assert n_edges % (_NW * _LANES) == 0
    assert n_nodes % _LANES == 0
    epw = n_edges // _NW
    steps = epw // _LANES
    nzero = n_nodes // _LANES
    mesh = plsc.VectorSubcoreMesh(
        core_axis_name="c", subcore_axis_name="s",
        num_cores=_NC, num_subcores=_NS)

    @functools.partial(
        pl.kernel,
        out_type=jax.ShapeDtypeStruct((_NW, n_nodes), jnp.float32),
        mesh=mesh,
        compiler_params=pltpu.CompilerParams(needs_layout_passes=False),
        scratch_types=[
            pltpu.VMEM((epw,), jnp.int32),
            pltpu.VMEM((epw,), jnp.int32),
            pltpu.VMEM((n_nodes,), jnp.float32),
            pltpu.VMEM((n_nodes,), jnp.float32),
            pltpu.VMEM((n_nodes,), jnp.float32),
        ],
    )
    def edge_kernel(u_hbm, v_hbm, src_hbm, dst_hbm, out_hbm,
                    s_v, d_v, u_v, v_v, acc_v):
        wid = lax.axis_index("s") * _NC + lax.axis_index("c")
        base = wid * epw
        pltpu.sync_copy(src_hbm.at[pl.ds(base, epw)], s_v)
        pltpu.sync_copy(dst_hbm.at[pl.ds(base, epw)], d_v)
        pltpu.sync_copy(u_hbm.at[0], u_v)
        pltpu.sync_copy(v_hbm.at[0], v_v)

        zeros_f = jnp.zeros((_LANES,), jnp.float32)

        @plsc.parallel_loop(0, nzero, unroll=8)
        def zero_body(i):
            acc_v[pl.ds(i * _LANES, _LANES)] = zeros_f

        @plsc.parallel_loop(0, steps, unroll=8)
        def body(i):
            s_idx = s_v[pl.ds(i * _LANES, _LANES)]
            d_idx = d_v[pl.ds(i * _LANES, _LANES)]
            uu = plsc.load_gather(u_v, [s_idx])
            vv = plsc.load_gather(v_v, [d_idx])
            logit = uu + vv
            logit = jnp.where(logit >= 0.0, logit, logit * 0.2)
            att = jnp.exp(logit)
            plsc.addupdate_scatter(acc_v, [d_idx], att)

        pltpu.sync_copy(acc_v, out_hbm.at[wid])

    return edge_kernel


def _uv_body(x_ref, w_ref, b_ref, attw_ref, u_ref, v_ref, *, layer):
    d = x_ref.shape[1]
    a1 = attw_ref[layer, :, :d]
    a2 = attw_ref[layer, :, d:]
    w = w_ref[layer]
    b_row = b_ref[layer][None, :]
    p = lax.dot_general(a1, w, (((1,), (0,)), ((), ())),
                        preferred_element_type=jnp.float32)
    q = lax.dot_general(a2, w, (((1,), (0,)), ((), ())),
                        preferred_element_type=jnp.float32)
    c = jnp.sum((a1 + a2) * b_row)
    x = x_ref[...]
    u_ref[...] = lax.dot_general(p, x, (((1,), (1,)), ((), ())),
                                 preferred_element_type=jnp.float32) + c
    v_ref[...] = lax.dot_general(q, x, (((1,), (1,)), ((), ())),
                                 preferred_element_type=jnp.float32)


def _rms(t, w, bias):
    inv = lax.rsqrt(jnp.mean(t * t, axis=-1, keepdims=True) + _EPS)
    return t * inv * w + bias


def _dense_body(x_ref, part_ref, gnw_ref, gnb_ref, wh_ref, bh_ref,
                hnw_ref, hnb_ref, wn_ref, bn_ref, attwn_ref,
                x_out_ref, u_ref=None, v_ref=None, *, layer, nxt):
    d = x_ref.shape[1]
    x = x_ref[...]
    nsum = jnp.sum(part_ref[...], axis=0)
    nsum = jnp.where(nsum == 0.0, 1.0, nsum)
    mm = jnp.maximum(x / nsum[:, None], 0.0)
    x1 = _rms(mm + x, gnw_ref[layer][None, :], gnb_ref[layer][None, :])
    y = lax.dot_general(x1, wh_ref[layer], (((1,), (1,)), ((), ())),
                        preferred_element_type=jnp.float32) + bh_ref[layer][None, :]
    y = jnp.maximum(y, 0.0)
    x2 = _rms(x1 + y, hnw_ref[layer][None, :], hnb_ref[layer][None, :])
    x_out_ref[...] = x2
    if u_ref is None:
        return
    a1 = attwn_ref[nxt, :, :d]
    a2 = attwn_ref[nxt, :, d:]
    wn = wn_ref[nxt]
    p = lax.dot_general(a1, wn, (((1,), (0,)), ((), ())),
                        preferred_element_type=jnp.float32)
    q = lax.dot_general(a2, wn, (((1,), (0,)), ((), ())),
                        preferred_element_type=jnp.float32)
    c = jnp.sum((a1 + a2) * bn_ref[nxt][None, :])
    u_ref[...] = lax.dot_general(p, x2, (((1,), (1,)), ((), ())),
                                 preferred_element_type=jnp.float32) + c
    v_ref[...] = lax.dot_general(q, x2, (((1,), (1,)), ((), ())),
                                 preferred_element_type=jnp.float32)


def kernel(x, a, e, W, b, attw, gnw, gnb, Wh, bh, hnw, hnb):
    del a
    n, d = x.shape
    n_edges = e.shape[0]
    n_layers = W.shape[0]

    edge_call = _make_edge_kernel(n, n_edges)

    uv_out = (jax.ShapeDtypeStruct((1, n), jnp.float32),
              jax.ShapeDtypeStruct((1, n), jnp.float32))
    uv_call = pl.pallas_call(functools.partial(_uv_body, layer=0),
                             out_shape=uv_out)

    e_src = e[:, 0]
    e_dst = e[:, 1]
    u, v = uv_call(x, W, b, attw)
    for i in range(n_layers):
        part = edge_call(u, v, e_src, e_dst)
        last = i == n_layers - 1
        x_out = jax.ShapeDtypeStruct((n, d), jnp.float32)
        dense_call = pl.pallas_call(
            functools.partial(_dense_body, layer=i, nxt=i + 1),
            out_shape=x_out if last else (x_out,) + uv_out,
        )
        res = dense_call(x, part, gnw, gnb, Wh, bh, hnw, hnb, W, b, attw)
        if last:
            x = res
        else:
            x, u, v = res
    return x

# --- scband reference (transcript-rebuilt; emitter-appended) ---
"""Pipeline reference for scband-gnn-15333033247248 (READ-ONLY COPY).

The authoritative reference and input builder live on the scoring server;
editing this copy changes nothing except your own understanding.
"""

import jax, jax.numpy as jnp
import numpy as np

N_NODES = 10000
N_EDGES = 320000
D = 128
L = 2
EPS = 1e-5


def setup_inputs(seed: int = 0) -> dict:
    key = jax.random.key(seed)
    ks = jax.random.split(key, 8)
    inp = {}
    inp["x"] = jax.random.normal(ks[0], (N_NODES, D), dtype=jnp.float32)
    inp["a"] = jnp.zeros((1,), dtype=jnp.int32)  # dummy adjacency; ignored by GAT path
    inp["e"] = jax.random.randint(ks[1], (N_EDGES, 2), 0, N_NODES, dtype=jnp.int32)
    # stacked per-layer learned params (from eqx.filter_vmap over layer constructors)
    inp["W"] = jax.random.normal(ks[2], (L, D, D), dtype=jnp.float32) * (1.0 / np.sqrt(D))
    inp["b"] = jnp.zeros((L, D), dtype=jnp.float32)
    inp["attw"] = jax.random.normal(ks[3], (L, 1, 2 * D), dtype=jnp.float32) * (1.0 / np.sqrt(2 * D))
    inp["gnw"] = jnp.ones((L, D), dtype=jnp.float32)
    inp["gnb"] = jnp.zeros((L, D), dtype=jnp.float32)
    inp["Wh"] = jax.random.normal(ks[4], (L, D, D), dtype=jnp.float32) * (1.0 / np.sqrt(D))
    inp["bh"] = jnp.zeros((L, D), dtype=jnp.float32)
    inp["hnw"] = jnp.ones((L, D), dtype=jnp.float32)
    inp["hnb"] = jnp.zeros((L, D), dtype=jnp.float32)
    return inp


def _rmsnorm(x, w, b):
    inv = jax.lax.rsqrt(jnp.mean(x * x, axis=-1, keepdims=True) + EPS)
    return x * inv * w + b


def reference(x, a, e, W, b, attw, gnw, gnb, Wh, bh, hnw, hnb):
    src = e[:, 0]
    dst = e[:, 1]
    n_nodes = x.shape[0]
    for i in range(L):
        # GATLayer
        m = jnp.take(x, src, axis=0) @ W[i].T + b[i]
        s = jnp.take(x, dst, axis=0) @ W[i].T + b[i]
        att = jnp.concatenate((m, s), axis=1) @ attw[i].T
        att = jax.nn.leaky_relu(att, negative_slope=0.2)
        att = jnp.exp(att)
        msum = jax.ops.segment_sum(att * m, dst, num_segments=n_nodes)  # computed (as in original) then overwritten
        nsum = jax.ops.segment_sum(att, dst, num_segments=n_nodes)
        mm = x / jnp.where(nsum == 0.0, 1.0, nsum)
        mm = jax.nn.relu(mm)
        x = _rmsnorm(mm + x, gnw[i], gnb[i])
        # HiddenLayer
        y = jax.nn.relu(x @ Wh[i].T + bh[i])
        x = _rmsnorm(x + y, hnw[i], hnb[i])
    return x


if False:  # reference __main__ guard neutralized (emitter)
    out = reference(**setup_inputs())
    print(out.shape, out.dtype)

if __name__ == "__main__":
    import jax
    _d = setup_inputs()
    print(jax.jit(kernel)(*tuple(_d.values())))

</pallas_src>

<mosaic_0001>
#map = affine_map<(d0, d1) -> (0, 0)>
#map1 = affine_map<(d0, d1) -> (0)>
module attributes {stable_mosaic.version = 14 : i64} {
  func.func @edge_kernel(%arg0: i32, %arg1: i32, %arg2: memref<1x10000xf32, #tpu.memory_space<hbm>>, %arg3: memref<1x10000xf32, #tpu.memory_space<hbm>>, %arg4: memref<320000xi32, #tpu.memory_space<hbm>>, %arg5: memref<320000xi32, #tpu.memory_space<hbm>>, %arg6: memref<32x10000xf32, #tpu.memory_space<hbm>>, %arg7: memref<10000xi32, #tpu.memory_space<vmem>>, %arg8: memref<10000xi32, #tpu.memory_space<vmem>>, %arg9: memref<10000xf32, #tpu.memory_space<vmem>>, %arg10: memref<10000xf32, #tpu.memory_space<vmem>>, %arg11: memref<10000xf32, #tpu.memory_space<vmem>>) attributes {dimension_semantics = [#tpu.dimension_semantics<core_parallel>, #tpu.dimension_semantics<subcore_parallel>], iteration_bounds = array<i64: 2, 16>, scalar_prefetch = 0 : i64, scratch_operands = 5 : i64, tpu.core_type = #tpu.core_type<sc_vector_subcore>, window_params = [{transform_indices = #map}, {transform_indices = #map}, {transform_indices = #map1}, {transform_indices = #map1}, {transform_indices = #map}]} {
    %mul3A = arith.constant 2 : i32
    %mul3A_0 = arith.muli %arg1, %mul3A : i32
    %add3A = arith.addi %mul3A_0, %arg0 : i32
    %mul3A_1 = arith.constant 10000 : i32
    %mul3A_2 = arith.muli %add3A, %mul3A_1 : i32
    "tpu.region"() ({
      %run_scoped3A_10 = tpu.sem_alloc : memref<!tpu.dma_semaphore, #tpu.memory_space<semaphore_mem>>
      %dma_start3A = tpu.memref_slice %arg4[%mul3A_2] : memref<320000xi32, #tpu.memory_space<hbm>> -> memref<10000xi32, #tpu.memory_space<hbm>>
      %dma_start3A_11 = tpu.memref_slice %arg4[%mul3A_2] : memref<320000xi32, #tpu.memory_space<hbm>> -> memref<10000xi32, #tpu.memory_space<hbm>>
      tpu.enqueue_dma source(%dma_start3A_11 : memref<10000xi32, #tpu.memory_space<hbm>>) target(%arg7 : memref<10000xi32, #tpu.memory_space<vmem>>) target_semaphore(%run_scoped3A_10 : memref<!tpu.dma_semaphore, #tpu.memory_space<semaphore_mem>>)
      %dma_wait3A = tpu.memref_slice %arg4[%mul3A_2] : memref<320000xi32, #tpu.memory_space<hbm>> -> memref<10000xi32, #tpu.memory_space<hbm>>
      %dma_wait3A_12 = tpu.memref_slice %arg4[%mul3A_2] : memref<320000xi32, #tpu.memory_space<hbm>> -> memref<10000xi32, #tpu.memory_space<hbm>>
      tpu.wait_dma2 semaphore(%run_scoped3A_10 : memref<!tpu.dma_semaphore, #tpu.memory_space<semaphore_mem>>) src(%dma_wait3A_12 : memref<10000xi32, #tpu.memory_space<hbm>>) dst(%arg7 : memref<10000xi32, #tpu.memory_space<vmem>>)
      tpu.yield
    }) : () -> ()
    "tpu.region"() ({
      %run_scoped3A_10 = tpu.sem_alloc : memref<!tpu.dma_semaphore, #tpu.memory_space<semaphore_mem>>
      %dma_start3A = tpu.memref_slice %arg5[%mul3A_2] : memref<320000xi32, #tpu.memory_space<hbm>> -> memref<10000xi32, #tpu.memory_space<hbm>>
      %dma_start3A_11 = tpu.memref_slice %arg5[%mul3A_2] : memref<320000xi32, #tpu.memory_space<hbm>> -> memref<10000xi32, #tpu.memory_space<hbm>>
      tpu.enqueue_dma source(%dma_start3A_11 : memref<10000xi32, #tpu.memory_space<hbm>>) target(%arg8 : memref<10000xi32, #tpu.memory_space<vmem>>) target_semaphore(%run_scoped3A_10 : memref<!tpu.dma_semaphore, #tpu.memory_space<semaphore_mem>>)
      %dma_wait3A = tpu.memref_slice %arg5[%mul3A_2] : memref<320000xi32, #tpu.memory_space<hbm>> -> memref<10000xi32, #tpu.memory_space<hbm>>
      %dma_wait3A_12 = tpu.memref_slice %arg5[%mul3A_2] : memref<320000xi32, #tpu.memory_space<hbm>> -> memref<10000xi32, #tpu.memory_space<hbm>>
      tpu.wait_dma2 semaphore(%run_scoped3A_10 : memref<!tpu.dma_semaphore, #tpu.memory_space<semaphore_mem>>) src(%dma_wait3A_12 : memref<10000xi32, #tpu.memory_space<hbm>>) dst(%arg8 : memref<10000xi32, #tpu.memory_space<vmem>>)
      tpu.yield
    }) : () -> ()
    %run_scoped3A = arith.constant 0 : i32
    "tpu.region"() ({
      %run_scoped3A_10 = tpu.sem_alloc : memref<!tpu.dma_semaphore, #tpu.memory_space<semaphore_mem>>
      %dma_start3A = arith.constant 0 : i32
      %dma_start3A_11 = tpu.memref_slice %arg2[%run_scoped3A, %dma_start3A] : memref<1x10000xf32, #tpu.memory_space<hbm>> -> memref<1x10000xf32, #tpu.memory_space<hbm>>
      %dma_start3A_12 = tpu.memref_squeeze %dma_start3A_11 : memref<1x10000xf32, #tpu.memory_space<hbm>> -> memref<10000xf32, #tpu.memory_space<hbm>>
      %dma_start3A_13 = arith.constant 0 : i32
      %dma_start3A_14 = tpu.memref_slice %arg2[%run_scoped3A, %dma_start3A_13] : memref<1x10000xf32, #tpu.memory_space<hbm>> -> memref<1x10000xf32, #tpu.memory_space<hbm>>
      %dma_start3A_15 = tpu.memref_squeeze %dma_start3A_14 : memref<1x10000xf32, #tpu.memory_space<hbm>> -> memref<10000xf32, #tpu.memory_space<hbm>>
      tpu.enqueue_dma source(%dma_start3A_15 : memref<10000xf32, #tpu.memory_space<hbm>>) target(%arg9 : memref<10000xf32, #tpu.memory_space<vmem>>) target_semaphore(%run_scoped3A_10 : memref<!tpu.dma_semaphore, #tpu.memory_space<semaphore_mem>>)
      %dma_wait3A = arith.constant 0 : i32
      %dma_wait3A_16 = tpu.memref_slice %arg2[%run_scoped3A, %dma_wait3A] : memref<1x10000xf32, #tpu.memory_space<hbm>> -> memref<1x10000xf32, #tpu.memory_space<hbm>>
      %dma_wait3A_17 = tpu.memref_squeeze %dma_wait3A_16 : memref<1x10000xf32, #tpu.memory_space<hbm>> -> memref<10000xf32, #tpu.memory_space<hbm>>
      %dma_wait3A_18 = arith.constant 0 : i32
      %dma_wait3A_19 = tpu.memref_slice %arg2[%run_scoped3A, %dma_wait3A_18] : memref<1x10000xf32, #tpu.memory_space<hbm>> -> memref<1x10000xf32, #tpu.memory_space<hbm>>
      %dma_wait3A_20 = tpu.memref_squeeze %dma_wait3A_19 : memref<1x10000xf32, #tpu.memory_space<hbm>> -> memref<10000xf32, #tpu.memory_space<hbm>>
      tpu.wait_dma2 semaphore(%run_scoped3A_10 : memref<!tpu.dma_semaphore, #tpu.memory_space<semaphore_mem>>) src(%dma_wait3A_20 : memref<10000xf32, #tpu.memory_space<hbm>>) dst(%arg9 : memref<10000xf32, #tpu.memory_space<vmem>>)
      tpu.yield
    }) : () -> ()
    %run_scoped3A_3 = arith.constant 0 : i32
    "tpu.region"() ({
      %run_scoped3A_10 = tpu.sem_alloc : memref<!tpu.dma_semaphore, #tpu.memory_space<semaphore_mem>>
      %dma_start3A = arith.constant 0 : i32
      %dma_start3A_11 = tpu.memref_slice %arg3[%run_scoped3A_3, %dma_start3A] : memref<1x10000xf32, #tpu.memory_space<hbm>> -> memref<1x10000xf32, #tpu.memory_space<hbm>>
      %dma_start3A_12 = tpu.memref_squeeze %dma_start3A_11 : memref<1x10000xf32, #tpu.memory_space<hbm>> -> memref<10000xf32, #tpu.memory_space<hbm>>
      %dma_start3A_13 = arith.constant 0 : i32
      %dma_start3A_14 = tpu.memref_slice %arg3[%run_scoped3A_3, %dma_start3A_13] : memref<1x10000xf32, #tpu.memory_space<hbm>> -> memref<1x10000xf32, #tpu.memory_space<hbm>>
      %dma_start3A_15 = tpu.memref_squeeze %dma_start3A_14 : memref<1x10000xf32, #tpu.memory_space<hbm>> -> memref<10000xf32, #tpu.memory_space<hbm>>
      tpu.enqueue_dma source(%dma_start3A_15 : memref<10000xf32, #tpu.memory_space<hbm>>) target(%arg10 : memref<10000xf32, #tpu.memory_space<vmem>>) target_semaphore(%run_scoped3A_10 : memref<!tpu.dma_semaphore, #tpu.memory_space<semaphore_mem>>)
      %dma_wait3A = arith.constant 0 : i32
      %dma_wait3A_16 = tpu.memref_slice %arg3[%run_scoped3A_3, %dma_wait3A] : memref<1x10000xf32, #tpu.memory_space<hbm>> -> memref<1x10000xf32, #tpu.memory_space<hbm>>
      %dma_wait3A_17 = tpu.memref_squeeze %dma_wait3A_16 : memref<1x10000xf32, #tpu.memory_space<hbm>> -> memref<10000xf32, #tpu.memory_space<hbm>>
      %dma_wait3A_18 = arith.constant 0 : i32
      %dma_wait3A_19 = tpu.memref_slice %arg3[%run_scoped3A_3, %dma_wait3A_18] : memref<1x10000xf32, #tpu.memory_space<hbm>> -> memref<1x10000xf32, #tpu.memory_space<hbm>>
      %dma_wait3A_20 = tpu.memref_squeeze %dma_wait3A_19 : memref<1x10000xf32, #tpu.memory_space<hbm>> -> memref<10000xf32, #tpu.memory_space<hbm>>
      tpu.wait_dma2 semaphore(%run_scoped3A_10 : memref<!tpu.dma_semaphore, #tpu.memory_space<semaphore_mem>>) src(%dma_wait3A_20 : memref<10000xf32, #tpu.memory_space<hbm>>) dst(%arg10 : memref<10000xf32, #tpu.memory_space<vmem>>)
      tpu.yield
    }) : () -> ()
    %broadcast_in_dim3A = arith.constant 0.000000e+00 : f32
    %broadcast_in_dim3A_4 = vector.broadcast %broadcast_in_dim3A : f32 to vector<16xf32>
    %parallel_loop3A = arith.constant 0 : i32
    %parallel_loop3A_5 = arith.constant 625 : i32
    %parallel_loop3A_6 = arith.constant 1 : i32
    scf.for %parallel_loop3A_10 = %parallel_loop3A to %parallel_loop3A_5 step %parallel_loop3A_6  : i32 {
      %parallel_loop3A_11 = arith.constant 16 : i32
      %parallel_loop3A_12 = arith.muli %parallel_loop3A_10, %parallel_loop3A_11 : i32
      %parallel_loop3A_13 = arith.index_cast %parallel_loop3A_12 : i32 to index
      %parallel_loop3A_14 = tpu.vector_load %arg11[%parallel_loop3A_13] {strides = array<i32>} : memref<10000xf32, #tpu.memory_space<vmem>>, vector<16xf32>,
      tpu.vector_store %arg11[%parallel_loop3A_13], %broadcast_in_dim3A_4 {strides = array<i32>} : memref<10000xf32, #tpu.memory_space<vmem>>, vector<16xf32>,
    } {sc.loop_unroll_factor = 8 : i64, sc.parallel_access}
    %parallel_loop3A_7 = arith.constant 0 : i32
    %parallel_loop3A_8 = arith.constant 625 : i32
    %parallel_loop3A_9 = arith.constant 1 : i32
    scf.for %parallel_loop3A_10 = %parallel_loop3A_7 to %parallel_loop3A_8 step %parallel_loop3A_9  : i32 {
      %parallel_loop3A_11 = arith.constant 16 : i32
      %parallel_loop3A_12 = arith.muli %parallel_loop3A_10, %parallel_loop3A_11 : i32
      %parallel_loop3A_13 = arith.index_cast %parallel_loop3A_12 : i32 to index
      %parallel_loop3A_14 = tpu.vector_load %arg7[%parallel_loop3A_13] {strides = array<i32>} : memref<10000xi32, #tpu.memory_space<vmem>>, vector<16xi32>,
      %parallel_loop3A_15 = arith.constant 16 : i32
      %parallel_loop3A_16 = arith.muli %parallel_loop3A_10, %parallel_loop3A_15 : i32
      %parallel_loop3A_17 = arith.index_cast %parallel_loop3A_16 : i32 to index
      %parallel_loop3A_18 = tpu.vector_load %arg8[%parallel_loop3A_17] {strides = array<i32>} : memref<10000xi32, #tpu.memory_space<vmem>>, vector<16xi32>,
      %parallel_loop3A_19 = tpu.vector_load_idx %arg9[%parallel_loop3A_14] : memref<10000xf32, #tpu.memory_space<vmem>>[vector<16xi32>], vector<16xf32>,
      %parallel_loop3A_20 = tpu.vector_load_idx %arg10[%parallel_loop3A_18] : memref<10000xf32, #tpu.memory_space<vmem>>[vector<16xi32>], vector<16xf32>,
      %parallel_loop3A_21 = arith.addf %parallel_loop3A_19, %parallel_loop3A_20 : vector<16xf32>
      %parallel_loop3A_22 = arith.constant 0.000000e+00 : f32
      %parallel_loop3A_23 = vector.broadcast %parallel_loop3A_22 : f32 to vector<16xf32>
      %parallel_loop3A_24 = arith.cmpf oge, %parallel_loop3A_21, %parallel_loop3A_23 : vector<16xf32>
      %parallel_loop3A_25 = arith.constant 2.000000e-01 : f32
      %parallel_loop3A_26 = vector.broadcast %parallel_loop3A_25 : f32 to vector<16xf32>
      %parallel_loop3A_27 = arith.mulf %parallel_loop3A_21, %parallel_loop3A_26 : vector<16xf32>
      %parallel_loop3A_28 = arith.select %parallel_loop3A_24, %parallel_loop3A_21, %parallel_loop3A_27 : vector<16xi1>, vector<16xf32>
      %parallel_loop3A_29 = math.exp %parallel_loop3A_28 : vector<16xf32>
      tpu.vector_store_idx %arg11[%parallel_loop3A_18], %parallel_loop3A_29 {add = true} : memref<10000xf32, #tpu.memory_space<vmem>>[vector<16xi32>], vector<16xf32>,
    } {sc.loop_unroll_factor = 8 : i64, sc.parallel_access}
    "tpu.region"() ({
      %run_scoped3A_10 = tpu.sem_alloc : memref<!tpu.dma_semaphore, #tpu.memory_space<semaphore_mem>>
      %dma_start3A = arith.constant 0 : i32
      %dma_start3A_11 = tpu.memref_slice %arg6[%add3A, %dma_start3A] : memref<32x10000xf32, #tpu.memory_space<hbm>> -> memref<1x10000xf32, #tpu.memory_space<hbm>>
      %dma_start3A_12 = tpu.memref_squeeze %dma_start3A_11 : memref<1x10000xf32, #tpu.memory_space<hbm>> -> memref<10000xf32, #tpu.memory_space<hbm>>
      %dma_start3A_13 = arith.constant 0 : i32
      %dma_start3A_14 = tpu.memref_slice %arg6[%add3A, %dma_start3A_13] : memref<32x10000xf32, #tpu.memory_space<hbm>> -> memref<1x10000xf32, #tpu.memory_space<hbm>>
      %dma_start3A_15 = tpu.memref_squeeze %dma_start3A_14 : memref<1x10000xf32, #tpu.memory_space<hbm>> -> memref<10000xf32, #tpu.memory_space<hbm>>
      tpu.enqueue_dma source(%arg11 : memref<10000xf32, #tpu.memory_space<vmem>>) target(%dma_start3A_15 : memref<10000xf32, #tpu.memory_space<hbm>>) target_semaphore(%run_scoped3A_10 : memref<!tpu.dma_semaphore, #tpu.memory_space<semaphore_mem>>)
      %dma_wait3A = arith.constant 0 : i32
      %dma_wait3A_16 = tpu.memref_slice %arg6[%add3A, %dma_wait3A] : memref<32x10000xf32, #tpu.memory_space<hbm>> -> memref<1x10000xf32, #tpu.memory_space<hbm>>
      %dma_wait3A_17 = tpu.memref_squeeze %dma_wait3A_16 : memref<1x10000xf32, #tpu.memory_space<hbm>> -> memref<10000xf32, #tpu.memory_space<hbm>>
      %dma_wait3A_18 = arith.constant 0 : i32
      %dma_wait3A_19 = tpu.memref_slice %arg6[%add3A, %dma_wait3A_18] : memref<32x10000xf32, #tpu.memory_space<hbm>> -> memref<1x10000xf32, #tpu.memory_space<hbm>>
      %dma_wait3A_20 = tpu.memref_squeeze %dma_wait3A_19 : memref<1x10000xf32, #tpu.memory_space<hbm>> -> memref<10000xf32, #tpu.memory_space<hbm>>
      tpu.wait_dma2 semaphore(%run_scoped3A_10 : memref<!tpu.dma_semaphore, #tpu.memory_space<semaphore_mem>>) src(%arg11 : memref<10000xf32, #tpu.memory_space<vmem>>) dst(%dma_wait3A_20 : memref<10000xf32, #tpu.memory_space<hbm>>)
      tpu.yield
    }) : () -> ()
    return
  }
}

#map = affine_map<(d0, d1) -> (0, 0)>
#map1 = affine_map<(d0, d1) -> (0)>
module attributes {stable_mosaic.version = 14 : i64} {
  func.func @edge_kernel(%arg0: i32, %arg1: i32, %arg2: memref<1x10000xf32, #tpu.memory_space<hbm>>, %arg3: memref<1x10000xf32, #tpu.memory_space<hbm>>, %arg4: memref<320000xi32, #tpu.memory_space<hbm>>, %arg5: memref<320000xi32, #tpu.memory_space<hbm>>, %arg6: memref<32x10000xf32, #tpu.memory_space<hbm>>, %arg7: memref<10000xi32, #tpu.memory_space<vmem>>, %arg8: memref<10000xi32, #tpu.memory_space<vmem>>, %arg9: memref<10000xf32, #tpu.memory_space<vmem>>, %arg10: memref<10000xf32, #tpu.memory_space<vmem>>, %arg11: memref<10000xf32, #tpu.memory_space<vmem>>) attributes {dimension_semantics = [#tpu.dimension_semantics<core_parallel>, #tpu.dimension_semantics<subcore_parallel>], iteration_bounds = array<i64: 2, 16>, scalar_prefetch = 0 : i64, scratch_operands = 5 : i64, tpu.core_type = #tpu.core_type<sc_vector_subcore>, window_params = [{transform_indices = #map}, {transform_indices = #map}, {transform_indices = #map1}, {transform_indices = #map1}, {transform_indices = #map}]} {
    %mul3A = arith.constant 2 : i32
    %mul3A_0 = arith.muli %arg1, %mul3A : i32
    %add3A = arith.addi %mul3A_0, %arg0 : i32
    %mul3A_1 = arith.constant 10000 : i32
    %mul3A_2 = arith.muli %add3A, %mul3A_1 : i32
    "tpu.region"() ({
      %run_scoped3A_10 = tpu.sem_alloc : memref<!tpu.dma_semaphore, #tpu.memory_space<semaphore_mem>>
      %dma_start3A = tpu.memref_slice %arg4[%mul3A_2] : memref<320000xi32, #tpu.memory_space<hbm>> -> memref<10000xi32, #tpu.memory_space<hbm>>
      %dma_start3A_11 = tpu.memref_slice %arg4[%mul3A_2] : memref<320000xi32, #tpu.memory_space<hbm>> -> memref<10000xi32, #tpu.memory_space<hbm>>
      tpu.enqueue_dma source(%dma_start3A_11 : memref<10000xi32, #tpu.memory_space<hbm>>) target(%arg7 : memref<10000xi32, #tpu.memory_space<vmem>>) target_semaphore(%run_scoped3A_10 : memref<!tpu.dma_semaphore, #tpu.memory_space<semaphore_mem>>)
      %dma_wait3A = tpu.memref_slice %arg4[%mul3A_2] : memref<320000xi32, #tpu.memory_space<hbm>> -> memref<10000xi32, #tpu.memory_space<hbm>>
      %dma_wait3A_12 = tpu.memref_slice %arg4[%mul3A_2] : memref<320000xi32, #tpu.memory_space<hbm>> -> memref<10000xi32, #tpu.memory_space<hbm>>
      tpu.wait_dma2 semaphore(%run_scoped3A_10 : memref<!tpu.dma_semaphore, #tpu.memory_space<semaphore_mem>>) src(%dma_wait3A_12 : memref<10000xi32, #tpu.memory_space<hbm>>) dst(%arg7 : memref<10000xi32, #tpu.memory_space<vmem>>)
      tpu.yield
    }) : () -> ()
    "tpu.region"() ({
      %run_scoped3A_10 = tpu.sem_alloc : memref<!tpu.dma_semaphore, #tpu.memory_space<semaphore_mem>>
      %dma_start3A = tpu.memref_slice %arg5[%mul3A_2] : memref<320000xi32, #tpu.memory_space<hbm>> -> memref<10000xi32, #tpu.memory_space<hbm>>
      %dma_start3A_11 = tpu.memref_slice %arg5[%mul3A_2] : memref<320000xi32, #tpu.memory_space<hbm>> -> memref<10000xi32, #tpu.memory_space<hbm>>
      tpu.enqueue_dma source(%dma_start3A_11 : memref<10000xi32, #tpu.memory_space<hbm>>) target(%arg8 : memref<10000xi32, #tpu.memory_space<vmem>>) target_semaphore(%run_scoped3A_10 : memref<!tpu.dma_semaphore, #tpu.memory_space<semaphore_mem>>)
      %dma_wait3A = tpu.memref_slice %arg5[%mul3A_2] : memref<320000xi32, #tpu.memory_space<hbm>> -> memref<10000xi32, #tpu.memory_space<hbm>>
      %dma_wait3A_12 = tpu.memref_slice %arg5[%mul3A_2] : memref<320000xi32, #tpu.memory_space<hbm>> -> memref<10000xi32, #tpu.memory_space<hbm>>
      tpu.wait_dma2 semaphore(%run_scoped3A_10 : memref<!tpu.dma_semaphore, #tpu.memory_space<semaphore_mem>>) src(%dma_wait3A_12 : memref<10000xi32, #tpu.memory_space<hbm>>) dst(%arg8 : memref<10000xi32, #tpu.memory_space<vmem>>)
      tpu.yield
    }) : () -> ()
    %run_scoped3A = arith.constant 0 : i32
    "tpu.region"() ({
      %run_scoped3A_10 = tpu.sem_alloc : memref<!tpu.dma_semaphore, #tpu.memory_space<semaphore_mem>>
      %dma_start3A = arith.constant 0 : i32
      %dma_start3A_11 = tpu.memref_slice %arg2[%run_scoped3A, %dma_start3A] : memref<1x10000xf32, #tpu.memory_space<hbm>> -> memref<1x10000xf32, #tpu.memory_space<hbm>>
      %dma_start3A_12 = tpu.memref_squeeze %dma_start3A_11 : memref<1x10000xf32, #tpu.memory_space<hbm>> -> memref<10000xf32, #tpu.memory_space<hbm>>
      %dma_start3A_13 = arith.constant 0 : i32
      %dma_start3A_14 = tpu.memref_slice %arg2[%run_scoped3A, %dma_start3A_13] : memref<1x10000xf32, #tpu.memory_space<hbm>> -> memref<1x10000xf32, #tpu.memory_space<hbm>>
      %dma_start3A_15 = tpu.memref_squeeze %dma_start3A_14 : memref<1x10000xf32, #tpu.memory_space<hbm>> -> memref<10000xf32, #tpu.memory_space<hbm>>
      tpu.enqueue_dma source(%dma_start3A_15 : memref<10000xf32, #tpu.memory_space<hbm>>) target(%arg9 : memref<10000xf32, #tpu.memory_space<vmem>>) target_semaphore(%run_scoped3A_10 : memref<!tpu.dma_semaphore, #tpu.memory_space<semaphore_mem>>)
      %dma_wait3A = arith.constant 0 : i32
      %dma_wait3A_16 = tpu.memref_slice %arg2[%run_scoped3A, %dma_wait3A] : memref<1x10000xf32, #tpu.memory_space<hbm>> -> memref<1x10000xf32, #tpu.memory_space<hbm>>
      %dma_wait3A_17 = tpu.memref_squeeze %dma_wait3A_16 : memref<1x10000xf32, #tpu.memory_space<hbm>> -> memref<10000xf32, #tpu.memory_space<hbm>>
      %dma_wait3A_18 = arith.constant 0 : i32
      %dma_wait3A_19 = tpu.memref_slice %arg2[%run_scoped3A, %dma_wait3A_18] : memref<1x10000xf32, #tpu.memory_space<hbm>> -> memref<1x10000xf32, #tpu.memory_space<hbm>>
      %dma_wait3A_20 = tpu.memref_squeeze %dma_wait3A_19 : memref<1x10000xf32, #tpu.memory_space<hbm>> -> memref<10000xf32, #tpu.memory_space<hbm>>
      tpu.wait_dma2 semaphore(%run_scoped3A_10 : memref<!tpu.dma_semaphore, #tpu.memory_space<semaphore_mem>>) src(%dma_wait3A_20 : memref<10000xf32, #tpu.memory_space<hbm>>) dst(%arg9 : memref<10000xf32, #tpu.memory_space<vmem>>)
      tpu.yield
    }) : () -> ()
    %run_scoped3A_3 = arith.constant 0 : i32
    "tpu.region"() ({
      %run_scoped3A_10 = tpu.sem_alloc : memref<!tpu.dma_semaphore, #tpu.memory_space<semaphore_mem>>
      %dma_start3A = arith.constant 0 : i32
      %dma_start3A_11 = tpu.memref_slice %arg3[%run_scoped3A_3, %dma_start3A] : memref<1x10000xf32, #tpu.memory_space<hbm>> -> memref<1x10000xf32, #tpu.memory_space<hbm>>
      %dma_start3A_12 = tpu.memref_squeeze %dma_start3A_11 : memref<1x10000xf32, #tpu.memory_space<hbm>> -> memref<10000xf32, #tpu.memory_space<hbm>>
      %dma_start3A_13 = arith.constant 0 : i32
      %dma_start3A_14 = tpu.memref_slice %arg3[%run_scoped3A_3, %dma_start3A_13] : memref<1x10000xf32, #tpu.memory_space<hbm>> -> memref<1x10000xf32, #tpu.memory_space<hbm>>
      %dma_start3A_15 = tpu.memref_squeeze %dma_start3A_14 : memref<1x10000xf32, #tpu.memory_space<hbm>> -> memref<10000xf32, #tpu.memory_space<hbm>>
      tpu.enqueue_dma source(%dma_start3A_15 : memref<10000xf32, #tpu.memory_space<hbm>>) target(%arg10 : memref<10000xf32, #tpu.memory_space<vmem>>) target_semaphore(%run_scoped3A_10 : memref<!tpu.dma_semaphore, #tpu.memory_space<semaphore_mem>>)
      %dma_wait3A = arith.constant 0 : i32
      %dma_wait3A_16 = tpu.memref_slice %arg3[%run_scoped3A_3, %dma_wait3A] : memref<1x10000xf32, #tpu.memory_space<hbm>> -> memref<1x10000xf32, #tpu.memory_space<hbm>>
      %dma_wait3A_17 = tpu.memref_squeeze %dma_wait3A_16 : memref<1x10000xf32, #tpu.memory_space<hbm>> -> memref<10000xf32, #tpu.memory_space<hbm>>
      %dma_wait3A_18 = arith.constant 0 : i32
      %dma_wait3A_19 = tpu.memref_slice %arg3[%run_scoped3A_3, %dma_wait3A_18] : memref<1x10000xf32, #tpu.memory_space<hbm>> -> memref<1x10000xf32, #tpu.memory_space<hbm>>
      %dma_wait3A_20 = tpu.memref_squeeze %dma_wait3A_19 : memref<1x10000xf32, #tpu.memory_space<hbm>> -> memref<10000xf32, #tpu.memory_space<hbm>>
      tpu.wait_dma2 semaphore(%run_scoped3A_10 : memref<!tpu.dma_semaphore, #tpu.memory_space<semaphore_mem>>) src(%dma_wait3A_20 : memref<10000xf32, #tpu.memory_space<hbm>>) dst(%arg10 : memref<10000xf32, #tpu.memory_space<vmem>>)
      tpu.yield
    }) : () -> ()
    %broadcast_in_dim3A = arith.constant 0.000000e+00 : f32
    %broadcast_in_dim3A_4 = vector.broadcast %broadcast_in_dim3A : f32 to vector<16xf32>
    %parallel_loop3A = arith.constant 0 : i32
    %parallel_loop3A_5 = arith.constant 625 : i32
    %parallel_loop3A_6 = arith.constant 1 : i32
    scf.for %parallel_loop3A_10 = %parallel_loop3A to %parallel_loop3A_5 step %parallel_loop3A_6  : i32 {
      %parallel_loop3A_11 = arith.constant 16 : i32
      %parallel_loop3A_12 = arith.muli %parallel_loop3A_10, %parallel_loop3A_11 : i32
      %parallel_loop3A_13 = arith.index_cast %parallel_loop3A_12 : i32 to index
      %parallel_loop3A_14 = tpu.vector_load %arg11[%parallel_loop3A_13] {strides = array<i32>} : memref<10000xf32, #tpu.memory_space<vmem>>, vector<16xf32>,
      tpu.vector_store %arg11[%parallel_loop3A_13], %broadcast_in_dim3A_4 {strides = array<i32>} : memref<10000xf32, #tpu.memory_space<vmem>>, vector<16xf32>,
    } {sc.loop_unroll_factor = 8 : i64, sc.parallel_access}
    %parallel_loop3A_7 = arith.constant 0 : i32
    %parallel_loop3A_8 = arith.constant 625 : i32
    %parallel_loop3A_9 = arith.constant 1 : i32
    scf.for %parallel_loop3A_10 = %parallel_loop3A_7 to %parallel_loop3A_8 step %parallel_loop3A_9  : i32 {
      %parallel_loop3A_11 = arith.constant 16 : i32
      %parallel_loop3A_12 = arith.muli %parallel_loop3A_10, %parallel_loop3A_11 : i32
      %parallel_loop3A_13 = arith.index_cast %parallel_loop3A_12 : i32 to index
      %parallel_loop3A_14 = tpu.vector_load %arg7[%parallel_loop3A_13] {strides = array<i32>} : memref<10000xi32, #tpu.memory_space<vmem>>, vector<16xi32>,
      %parallel_loop3A_15 = arith.constant 16 : i32
      %parallel_loop3A_16 = arith.muli %parallel_loop3A_10, %parallel_loop3A_15 : i32
      %parallel_loop3A_17 = arith.index_cast %parallel_loop3A_16 : i32 to index
      %parallel_loop3A_18 = tpu.vector_load %arg8[%parallel_loop3A_17] {strides = array<i32>} : memref<10000xi32, #tpu.memory_space<vmem>>, vector<16xi32>,
      %parallel_loop3A_19 = tpu.vector_load_idx %arg9[%parallel_loop3A_14] : memref<10000xf32, #tpu.memory_space<vmem>>[vector<16xi32>], vector<16xf32>,
      %parallel_loop3A_20 = tpu.vector_load_idx %arg10[%parallel_loop3A_18] : memref<10000xf32, #tpu.memory_space<vmem>>[vector<16xi32>], vector<16xf32>,
      %parallel_loop3A_21 = arith.addf %parallel_loop3A_19, %parallel_loop3A_20 : vector<16xf32>
      %parallel_loop3A_22 = arith.constant 0.000000e+00 : f32
      %parallel_loop3A_23 = vector.broadcast %parallel_loop3A_22 : f32 to vector<16xf32>
      %parallel_loop3A_24 = arith.cmpf oge, %parallel_loop3A_21, %parallel_loop3A_23 : vector<16xf32>
      %parallel_loop3A_25 = arith.constant 2.000000e-01 : f32
      %parallel_loop3A_26 = vector.broadcast %parallel_loop3A_25 : f32 to vector<16xf32>
      %parallel_loop3A_27 = arith.mulf %parallel_loop3A_21, %parallel_loop3A_26 : vector<16xf32>
      %parallel_loop3A_28 = arith.select %parallel_loop3A_24, %parallel_loop3A_21, %parallel_loop3A_27 : vector<16xi1>, vector<16xf32>
      %parallel_loop3A_29 = math.exp %parallel_loop3A_28 : vector<16xf32>
      tpu.vector_store_idx %arg11[%parallel_loop3A_18], %parallel_loop3A_29 {add = true} : memref<10000xf32, #tpu.memory_space<vmem>>[vector<16xi32>], vector<16xf32>,
    } {sc.loop_unroll_factor = 8 : i64, sc.parallel_access}
    "tpu.region"() ({
      %run_scoped3A_10 = tpu.sem_alloc : memref<!tpu.dma_semaphore, #tpu.memory_space<semaphore_mem>>
      %dma_start3A = arith.constant 0 : i32
      %dma_start3A_11 = tpu.memref_slice %arg6[%add3A, %dma_start3A] : memref<32x10000xf32, #tpu.memory_space<hbm>> -> memref<1x10000xf32, #tpu.memory_space<hbm>>
      %dma_start3A_12 = tpu.memref_squeeze %dma_start3A_11 : memref<1x10000xf32, #tpu.memory_space<hbm>> -> memref<10000xf32, #tpu.memory_space<hbm>>
      %dma_start3A_13 = arith.constant 0 : i32
      %dma_start3A_14 = tpu.memref_slice %arg6[%add3A, %dma_start3A_13] : memref<32x10000xf32, #tpu.memory_space<hbm>> -> memref<1x10000xf32, #tpu.memory_space<hbm>>
      %dma_start3A_15 = tpu.memref_squeeze %dma_start3A_14 : memref<1x10000xf32, #tpu.memory_space<hbm>> -> memref<10000xf32, #tpu.memory_space<hbm>>
      tpu.enqueue_dma source(%arg11 : memref<10000xf32, #tpu.memory_space<vmem>>) target(%dma_start3A_15 : memref<10000xf32, #tpu.memory_space<hbm>>) target_semaphore(%run_scoped3A_10 : memref<!tpu.dma_semaphore, #tpu.memory_space<semaphore_mem>>)
      %dma_wait3A = arith.constant 0 : i32
      %dma_wait3A_16 = tpu.memref_slice %arg6[%add3A, %dma_wait3A] : memref<32x10000xf32, #tpu.memory_space<hbm>> -> memref<1x10000xf32, #tpu.memory_space<hbm>>
      %dma_wait3A_17 = tpu.memref_squeeze %dma_wait3A_16 : memref<1x10000xf32, #tpu.memory_space<hbm>> -> memref<10000xf32, #tpu.memory_space<hbm>>
      %dma_wait3A_18 = arith.constant 0 : i32
      %dma_wait3A_19 = tpu.memref_slice %arg6[%add3A, %dma_wait3A_18] : memref<32x10000xf32, #tpu.memory_space<hbm>> -> memref<1x10000xf32, #tpu.memory_space<hbm>>
      %dma_wait3A_20 = tpu.memref_squeeze %dma_wait3A_19 : memref<1x10000xf32, #tpu.memory_space<hbm>> -> memref<10000xf32, #tpu.memory_space<hbm>>
      tpu.wait_dma2 semaphore(%run_scoped3A_10 : memref<!tpu.dma_semaphore, #tpu.memory_space<semaphore_mem>>) src(%arg11 : memref<10000xf32, #tpu.memory_space<vmem>>) dst(%dma_wait3A_20 : memref<10000xf32, #tpu.memory_space<hbm>>)
      tpu.yield
    }) : () -> ()
    return
  }
}

module attributes {stable_mosaic.version = 14 : i64} {
  func.func @_dense_body(%arg0: memref<10000x128xf32, #tpu.memory_space<vmem>>, %arg1: memref<32x10000xf32, #tpu.memory_space<vmem>>, %arg2: memref<2x128xf32, #tpu.memory_space<vmem>>, %arg3: memref<2x128xf32, #tpu.memory_space<vmem>>, %arg4: memref<2x128x128xf32, #tpu.memory_space<vmem>>, %arg5: memref<2x128xf32, #tpu.memory_space<vmem>>, %arg6: memref<2x128xf32, #tpu.memory_space<vmem>>, %arg7: memref<2x128xf32, #tpu.memory_space<vmem>>, %arg8: memref<2x128x128xf32, #tpu.memory_space<vmem>>, %arg9: memref<2x128xf32, #tpu.memory_space<vmem>>, %arg10: memref<2x1x256xf32, #tpu.memory_space<vmem>>, %arg11: memref<10000x128xf32, #tpu.memory_space<vmem>>) attributes {dimension_semantics = [], scalar_prefetch = 0 : i64, scratch_operands = 0 : i64, tpu.core_type = #tpu.core_type<tc>} {
    %get3A = arith.constant 0 : index
    %get3A_0 = arith.constant 0 : index
    %get3A_1 = vector.load %arg0[%get3A, %get3A_0] : memref<10000x128xf32, #tpu.memory_space<vmem>>, vector<10000x128xf32>
    %get3A_2 = arith.constant 0 : index
    %get3A_3 = arith.constant 0 : index
    %get3A_4 = vector.load %arg1[%get3A_2, %get3A_3] : memref<32x10000xf32, #tpu.memory_space<vmem>>, vector<32x10000xf32>
    %reduce_sum3A = arith.constant dense<0.000000e+00> : vector<10000xf32>
    %reduce_sum3A_5 = vector.multi_reduction <add>, %get3A_4, %reduce_sum3A [0] : vector<32x10000xf32> to vector<10000xf32>
    %eq3A = arith.constant 0.000000e+00 : f32
    %eq3A_6 = vector.broadcast %eq3A : f32 to vector<10000xf32>
    %eq3A_7 = arith.cmpf oeq, %reduce_sum3A_5, %eq3A_6 : vector<10000xf32>
    %jit3A = arith.constant 1.000000e+00 : f32
    %broadcast_in_dim3A = vector.broadcast %jit3A : f32 to vector<10000xf32>
    %select_n3A = arith.select %eq3A_7, %broadcast_in_dim3A, %reduce_sum3A_5 : vector<10000xi1>, vector<10000xf32>
    %broadcast_in_dim3A_8 = vector.shape_cast %select_n3A : vector<10000xf32> to vector<10000x1xf32>
    %div3A = vector.broadcast %broadcast_in_dim3A_8 : vector<10000x1xf32> to vector<10000x128xf32>
    %div3A_9 = arith.divf %get3A_1, %div3A : vector<10000x128xf32>
    %max3A = arith.constant 0.000000e+00 : f32
    %max3A_10 = vector.broadcast %max3A : f32 to vector<10000x128xf32>
    %max3A_11 = arith.maximumf %div3A_9, %max3A_10 : vector<10000x128xf32>
    %add3A = arith.addf %max3A_11, %get3A_1 : vector<10000x128xf32>
    %get3A_12 = arith.constant 1 : index
    %get3A_13 = arith.constant 0 : index
    %get3A_14 = vector.load %arg2[%get3A_12, %get3A_13] : memref<2x128xf32, #tpu.memory_space<vmem>>, vector<1x128xf32>
    %get3A_15 = vector.shape_cast %get3A_14 : vector<1x128xf32> to vector<128xf32>
    %broadcast_in_dim3A_16 = vector.shape_cast %get3A_15 : vector<128xf32> to vector<1x128xf32>
    %get3A_17 = arith.constant 1 : index
    %get3A_18 = arith.constant 0 : index
    %get3A_19 = vector.load %arg3[%get3A_17, %get3A_18] : memref<2x128xf32, #tpu.memory_space<vmem>>, vector<1x128xf32>
    %get3A_20 = vector.shape_cast %get3A_19 : vector<1x128xf32> to vector<128xf32>
    %broadcast_in_dim3A_21 = vector.shape_cast %get3A_20 : vector<128xf32> to vector<1x128xf32>
    %mul3A = arith.mulf %add3A, %add3A : vector<10000x128xf32>
    %reduce_sum3A_22 = arith.constant dense<0.000000e+00> : vector<10000xf32>
    %reduce_sum3A_23 = vector.multi_reduction <add>, %mul3A, %reduce_sum3A_22 [1] : vector<10000x128xf32> to vector<10000xf32>
    %broadcast_in_dim3A_24 = vector.shape_cast %reduce_sum3A_23 : vector<10000xf32> to vector<10000x1xf32>
    %div3A_25 = arith.constant 1.280000e+02 : f32
    %div3A_26 = vector.broadcast %div3A_25 : f32 to vector<10000x1xf32>
    %div3A_27 = arith.divf %broadcast_in_dim3A_24, %div3A_26 : vector<10000x1xf32>
    %add3A_28 = arith.constant 9.99999974E-6 : f32
    %add3A_29 = vector.broadcast %add3A_28 : f32 to vector<10000x1xf32>
    %add3A_30 = arith.addf %div3A_27, %add3A_29 : vector<10000x1xf32>
    %rsqrt3A = math.rsqrt %add3A_30 : vector<10000x1xf32>
    %mul3A_31 = vector.broadcast %rsqrt3A : vector<10000x1xf32> to vector<10000x128xf32>
    %mul3A_32 = arith.mulf %add3A, %mul3A_31 : vector<10000x128xf32>
    %mul3A_33 = vector.broadcast %broadcast_in_dim3A_16 : vector<1x128xf32> to vector<10000x128xf32>
    %mul3A_34 = arith.mulf %mul3A_32, %mul3A_33 : vector<10000x128xf32>
    %add3A_35 = vector.broadcast %broadcast_in_dim3A_21 : vector<1x128xf32> to vector<10000x128xf32>
    %add3A_36 = arith.addf %mul3A_34, %add3A_35 : vector<10000x128xf32>
    %get3A_37 = arith.constant 1 : index
    %get3A_38 = arith.constant 0 : index
    %get3A_39 = arith.constant 0 : index
    %get3A_40 = vector.load %arg4[%get3A_37, %get3A_38, %get3A_39] : memref<2x128x128xf32, #tpu.memory_space<vmem>>, vector<1x128x128xf32>
    %get3A_41 = vector.shape_cast %get3A_40 : vector<1x128x128xf32> to vector<128x128xf32>
    %dot_general3A = arith.constant dense<0.000000e+00> : vector<10000x128xf32>
    %dot_general3A_42 = tpu.matmul %add3A_36, %get3A_41, %dot_general3A {dimension_numbers = #tpu.dot_dimension_numbers<[1], [1], [0], [0], [0, 0, 1, 0], [], []>, transpose_lhs_hint = false} : vector<10000x128xf32>, vector<128x128xf32>, vector<10000x128xf32> -> vector<10000x128xf32>
    %get3A_43 = arith.constant 1 : index
    %get3A_44 = arith.constant 0 : index
    %get3A_45 = vector.load %arg5[%get3A_43, %get3A_44] : memref<2x128xf32, #tpu.memory_space<vmem>>, vector<1x128xf32>
    %get3A_46 = vector.shape_cast %get3A_45 : vector<1x128xf32> to vector<128xf32>
    %broadcast_in_dim3A_47 = vector.shape_cast %get3A_46 : vector<128xf32> to vector<1x128xf32>
    %add3A_48 = vector.broadcast %broadcast_in_dim3A_47 : vector<1x128xf32> to vector<10000x128xf32>
    %add3A_49 = arith.addf %dot_general3A_42, %add3A_48 : vector<10000x128xf32>
    %max3A_50 = arith.constant 0.000000e+00 : f32
    %max3A_51 = vector.broadcast %max3A_50 : f32 to vector<10000x128xf32>
    %max3A_52 = arith.maximumf %add3A_49, %max3A_51 : vector<10000x128xf32>
    %add3A_53 = arith.addf %add3A_36, %max3A_52 : vector<10000x128xf32>
    %get3A_54 = arith.constant 1 : index
    %get3A_55 = arith.constant 0 : index
    %get3A_56 = vector.load %arg6[%get3A_54, %get3A_55] : memref<2x128xf32, #tpu.memory_space<vmem>>, vector<1x128xf32>
    %get3A_57 = vector.shape_cast %get3A_56 : vector<1x128xf32> to vector<128xf32>
    %broadcast_in_dim3A_58 = vector.shape_cast %get3A_57 : vector<128xf32> to vector<1x128xf32>
    %get3A_59 = arith.constant 1 : index
    %get3A_60 = arith.constant 0 : index
    %get3A_61 = vector.load %arg7[%get3A_59, %get3A_60] : memref<2x128xf32, #tpu.memory_space<vmem>>, vector<1x128xf32>
    %get3A_62 = vector.shape_cast %get3A_61 : vector<1x128xf32> to vector<128xf32>
    %broadcast_in_dim3A_63 = vector.shape_cast %get3A_62 : vector<128xf32> to vector<1x128xf32>
    %mul3A_64 = arith.mulf %add3A_53, %add3A_53 : vector<10000x128xf32>
    %reduce_sum3A_65 = arith.constant dense<0.000000e+00> : vector<10000xf32>
    %reduce_sum3A_66 = vector.multi_reduction <add>, %mul3A_64, %reduce_sum3A_65 [1] : vector<10000x128xf32> to vector<10000xf32>
    %broadcast_in_dim3A_67 = vector.shape_cast %reduce_sum3A_66 : vector<10000xf32> to vector<10000x1xf32>
    %div3A_68 = arith.constant 1.280000e+02 : f32
    %div3A_69 = vector.broadcast %div3A_68 : f32 to vector<10000x1xf32>
    %div3A_70 = arith.divf %broadcast_in_dim3A_67, %div3A_69 : vector<10000x1xf32>
    %add3A_71 = arith.constant 9.99999974E-6 : f32
    %add3A_72 = vector.broadcast %add3A_71 : f32 to vector<10000x1xf32>
    %add3A_73 = arith.addf %div3A_70, %add3A_72 : vector<10000x1xf32>
    %rsqrt3A_74 = math.rsqrt %add3A_73 : vector<10000x1xf32>
    %mul3A_75 = vector.broadcast %rsqrt3A_74 : vector<10000x1xf32> to vector<10000x128xf32>
    %mul3A_76 = arith.mulf %add3A_53, %mul3A_75 : vector<10000x128xf32>
    %mul3A_77 = vector.broadcast %broadcast_in_dim3A_58 : vector<1x128xf32> to vector<10000x128xf32>
    %mul3A_78 = arith.mulf %mul3A_76, %mul3A_77 : vector<10000x128xf32>
    %add3A_79 = vector.broadcast %broadcast_in_dim3A_63 : vector<1x128xf32> to vector<10000x128xf32>
    %add3A_80 = arith.addf %mul3A_78, %add3A_79 : vector<10000x128xf32>
    %swap3A = arith.constant 0 : index
    %swap3A_81 = arith.constant 0 : index
    %swap3A_82 = vector.load %arg11[%swap3A, %swap3A_81] : memref<10000x128xf32, #tpu.memory_space<vmem>>, vector<10000x128xf32>
    tpu.vector_store %arg11[%swap3A, %swap3A_81], %add3A_80 {strides = array<i32>} : memref<10000x128xf32, #tpu.memory_space<vmem>>, vector<10000x128xf32>,
    return
  }
}

module attributes {stable_mosaic.version = 14 : i64} {
  func.func @_dense_body(%arg0: memref<10000x128xf32, #tpu.memory_space<vmem>>, %arg1: memref<32x10000xf32, #tpu.memory_space<vmem>>, %arg2: memref<2x128xf32, #tpu.memory_space<vmem>>, %arg3: memref<2x128xf32, #tpu.memory_space<vmem>>, %arg4: memref<2x128x128xf32, #tpu.memory_space<vmem>>, %arg5: memref<2x128xf32, #tpu.memory_space<vmem>>, %arg6: memref<2x128xf32, #tpu.memory_space<vmem>>, %arg7: memref<2x128xf32, #tpu.memory_space<vmem>>, %arg8: memref<2x128x128xf32, #tpu.memory_space<vmem>>, %arg9: memref<2x128xf32, #tpu.memory_space<vmem>>, %arg10: memref<2x1x256xf32, #tpu.memory_space<vmem>>, %arg11: memref<10000x128xf32, #tpu.memory_space<vmem>>, %arg12: memref<1x10000xf32, #tpu.memory_space<vmem>>, %arg13: memref<1x10000xf32, #tpu.memory_space<vmem>>) attributes {dimension_semantics = [], scalar_prefetch = 0 : i64, scratch_operands = 0 : i64, tpu.core_type = #tpu.core_type<tc>} {
    %get3A = arith.constant 0 : index
    %get3A_0 = arith.constant 0 : index
    %get3A_1 = vector.load %arg0[%get3A, %get3A_0] : memref<10000x128xf32, #tpu.memory_space<vmem>>, vector<10000x128xf32>
    %get3A_2 = arith.constant 0 : index
    %get3A_3 = arith.constant 0 : index
    %get3A_4 = vector.load %arg1[%get3A_2, %get3A_3] : memref<32x10000xf32, #tpu.memory_space<vmem>>, vector<32x10000xf32>
    %reduce_sum3A = arith.constant dense<0.000000e+00> : vector<10000xf32>
    %reduce_sum3A_5 = vector.multi_reduction <add>, %get3A_4, %reduce_sum3A [0] : vector<32x10000xf32> to vector<10000xf32>
    %eq3A = arith.constant 0.000000e+00 : f32
    %eq3A_6 = vector.broadcast %eq3A : f32 to vector<10000xf32>
    %eq3A_7 = arith.cmpf oeq, %reduce_sum3A_5, %eq3A_6 : vector<10000xf32>
    %jit3A = arith.constant 1.000000e+00 : f32
    %broadcast_in_dim3A = vector.broadcast %jit3A : f32 to vector<10000xf32>
    %select_n3A = arith.select %eq3A_7, %broadcast_in_dim3A, %reduce_sum3A_5 : vector<10000xi1>, vector<10000xf32>
    %broadcast_in_dim3A_8 = vector.shape_cast %select_n3A : vector<10000xf32> to vector<10000x1xf32>
    %div3A = vector.broadcast %broadcast_in_dim3A_8 : vector<10000x1xf32> to vector<10000x128xf32>
    %div3A_9 = arith.divf %get3A_1, %div3A : vector<10000x128xf32>
    %max3A = arith.constant 0.000000e+00 : f32
    %max3A_10 = vector.broadcast %max3A : f32 to vector<10000x128xf32>
    %max3A_11 = arith.maximumf %div3A_9, %max3A_10 : vector<10000x128xf32>
    %add3A = arith.addf %max3A_11, %get3A_1 : vector<10000x128xf32>
    %get3A_12 = arith.constant 0 : index
    %get3A_13 = arith.constant 0 : index
    %get3A_14 = vector.load %arg2[%get3A_12, %get3A_13] : memref<2x128xf32, #tpu.memory_space<vmem>>, vector<1x128xf32>
    %get3A_15 = vector.shape_cast %get3A_14 : vector<1x128xf32> to vector<128xf32>
    %broadcast_in_dim3A_16 = vector.shape_cast %get3A_15 : vector<128xf32> to vector<1x128xf32>
    %get3A_17 = arith.constant 0 : index
    %get3A_18 = arith.constant 0 : index
    %get3A_19 = vector.load %arg3[%get3A_17, %get3A_18] : memref<2x128xf32, #tpu.memory_space<vmem>>, vector<1x128xf32>
    %get3A_20 = vector.shape_cast %get3A_19 : vector<1x128xf32> to vector<128xf32>
    %broadcast_in_dim3A_21 = vector.shape_cast %get3A_20 : vector<128xf32> to vector<1x128xf32>
    %mul3A = arith.mulf %add3A, %add3A : vector<10000x128xf32>
    %reduce_sum3A_22 = arith.constant dense<0.000000e+00> : vector<10000xf32>
    %reduce_sum3A_23 = vector.multi_reduction <add>, %mul3A, %reduce_sum3A_22 [1] : vector<10000x128xf32> to vector<10000xf32>
    %broadcast_in_dim3A_24 = vector.shape_cast %reduce_sum3A_23 : vector<10000xf32> to vector<10000x1xf32>
    %div3A_25 = arith.constant 1.280000e+02 : f32
    %div3A_26 = vector.broadcast %div3A_25 : f32 to vector<10000x1xf32>
    %div3A_27 = arith.divf %broadcast_in_dim3A_24, %div3A_26 : vector<10000x1xf32>
    %add3A_28 = arith.constant 9.99999974E-6 : f32
    %add3A_29 = vector.broadcast %add3A_28 : f32 to vector<10000x1xf32>
    %add3A_30 = arith.addf %div3A_27, %add3A_29 : vector<10000x1xf32>
    %rsqrt3A = math.rsqrt %add3A_30 : vector<10000x1xf32>
    %mul3A_31 = vector.broadcast %rsqrt3A : vector<10000x1xf32> to vector<10000x128xf32>
    %mul3A_32 = arith.mulf %add3A, %mul3A_31 : vector<10000x128xf32>
    %mul3A_33 = vector.broadcast %broadcast_in_dim3A_16 : vector<1x128xf32> to vector<10000x128xf32>
    %mul3A_34 = arith.mulf %mul3A_32, %mul3A_33 : vector<10000x128xf32>
    %add3A_35 = vector.broadcast %broadcast_in_dim3A_21 : vector<1x128xf32> to vector<10000x128xf32>
    %add3A_36 = arith.addf %mul3A_34, %add3A_35 : vector<10000x128xf32>
    %get3A_37 = arith.constant 0 : index
    %get3A_38 = arith.constant 0 : index
    %get3A_39 = arith.constant 0 : index
    %get3A_40 = vector.load %arg4[%get3A_37, %get3A_38, %get3A_39] : memref<2x128x128xf32, #tpu.memory_space<vmem>>, vector<1x128x128xf32>
    %get3A_41 = vector.shape_cast %get3A_40 : vector<1x128x128xf32> to vector<128x128xf32>
    %dot_general3A = arith.constant dense<0.000000e+00> : vector<10000x128xf32>
    %dot_general3A_42 = tpu.matmul %add3A_36, %get3A_41, %dot_general3A {dimension_numbers = #tpu.dot_dimension_numbers<[1], [1], [0], [0], [0, 0, 1, 0], [], []>, transpose_lhs_hint = false} : vector<10000x128xf32>, vector<128x128xf32>, vector<10000x128xf32> -> vector<10000x128xf32>
    %get3A_43 = arith.constant 0 : index
    %get3A_44 = arith.constant 0 : index
    %get3A_45 = vector.load %arg5[%get3A_43, %get3A_44] : memref<2x128xf32, #tpu.memory_space<vmem>>, vector<1x128xf32>
    %get3A_46 = vector.shape_cast %get3A_45 : vector<1x128xf32> to vector<128xf32>
    %broadcast_in_dim3A_47 = vector.shape_cast %get3A_46 : vector<128xf32> to vector<1x128xf32>
    %add3A_48 = vector.broadcast %broadcast_in_dim3A_47 : vector<1x128xf32> to vector<10000x128xf32>
    %add3A_49 = arith.addf %dot_general3A_42, %add3A_48 : vector<10000x128xf32>
    %max3A_50 = arith.constant 0.000000e+00 : f32
    %max3A_51 = vector.broadcast %max3A_50 : f32 to vector<10000x128xf32>
    %max3A_52 = arith.maximumf %add3A_49, %max3A_51 : vector<10000x128xf32>
    %add3A_53 = arith.addf %add3A_36, %max3A_52 : vector<10000x128xf32>
    %get3A_54 = arith.constant 0 : index
    %get3A_55 = arith.constant 0 : index
    %get3A_56 = vector.load %arg6[%get3A_54, %get3A_55] : memref<2x128xf32, #tpu.memory_space<vmem>>, vector<1x128xf32>
    %get3A_57 = vector.shape_cast %get3A_56 : vector<1x128xf32> to vector<128xf32>
    %broadcast_in_dim3A_58 = vector.shape_cast %get3A_57 : vector<128xf32> to vector<1x128xf32>
    %get3A_59 = arith.constant 0 : index
    %get3A_60 = arith.constant 0 : index
    %get3A_61 = vector.load %arg7[%get3A_59, %get3A_60] : memref<2x128xf32, #tpu.memory_space<vmem>>, vector<1x128xf32>
    %get3A_62 = vector.shape_cast %get3A_61 : vector<1x128xf32> to vector<128xf32>
    %broadcast_in_dim3A_63 = vector.shape_cast %get3A_62 : vector<128xf32> to vector<1x128xf32>
    %mul3A_64 = arith.mulf %add3A_53, %add3A_53 : vector<10000x128xf32>
    %reduce_sum3A_65 = arith.constant dense<0.000000e+00> : vector<10000xf32>
    %reduce_sum3A_66 = vector.multi_reduction <add>, %mul3A_64, %reduce_sum3A_65 [1] : vector<10000x128xf32> to vector<10000xf32>
    %broadcast_in_dim3A_67 = vector.shape_cast %reduce_sum3A_66 : vector<10000xf32> to vector<10000x1xf32>
    %div3A_68 = arith.constant 1.280000e+02 : f32
    %div3A_69 = vector.broadcast %div3A_68 : f32 to vector<10000x1xf32>
    %div3A_70 = arith.divf %broadcast_in_dim3A_67, %div3A_69 : vector<10000x1xf32>
    %add3A_71 = arith.constant 9.99999974E-6 : f32
    %add3A_72 = vector.broadcast %add3A_71 : f32 to vector<10000x1xf32>
    %add3A_73 = arith.addf %div3A_70, %add3A_72 : vector<10000x1xf32>
    %rsqrt3A_74 = math.rsqrt %add3A_73 : vector<10000x1xf32>
    %mul3A_75 = vector.broadcast %rsqrt3A_74 : vector<10000x1xf32> to vector<10000x128xf32>
    %mul3A_76 = arith.mulf %add3A_53, %mul3A_75 : vector<10000x128xf32>
    %mul3A_77 = vector.broadcast %broadcast_in_dim3A_58 : vector<1x128xf32> to vector<10000x128xf32>
    %mul3A_78 = arith.mulf %mul3A_76, %mul3A_77 : vector<10000x128xf32>
    %add3A_79 = vector.broadcast %broadcast_in_dim3A_63 : vector<1x128xf32> to vector<10000x128xf32>
    %add3A_80 = arith.addf %mul3A_78, %add3A_79 : vector<10000x128xf32>
    %swap3A = arith.constant 0 : index
    %swap3A_81 = arith.constant 0 : index
    %swap3A_82 = vector.load %arg11[%swap3A, %swap3A_81] : memref<10000x128xf32, #tpu.memory_space<vmem>>, vector<10000x128xf32>
    tpu.vector_store %arg11[%swap3A, %swap3A_81], %add3A_80 {strides = array<i32>} : memref<10000x128xf32, #tpu.memory_space<vmem>>, vector<10000x128xf32>,
    %get3A_83 = arith.constant 1 : index
    %get3A_84 = arith.constant 0 : index
    %get3A_85 = arith.constant 0 : index
    %get3A_86 = vector.load %arg10[%get3A_83, %get3A_84, %get3A_85] : memref<2x1x256xf32, #tpu.memory_space<vmem>>, vector<1x1x128xf32>
    %get3A_87 = vector.shape_cast %get3A_86 : vector<1x1x128xf32> to vector<1x128xf32>
    %get3A_88 = arith.constant 1 : index
    %get3A_89 = arith.constant 0 : index
    %get3A_90 = arith.constant 128 : index
    %get3A_91 = vector.load %arg10[%get3A_88, %get3A_89, %get3A_90] : memref<2x1x256xf32, #tpu.memory_space<vmem>>, vector<1x1x128xf32>
    %get3A_92 = vector.shape_cast %get3A_91 : vector<1x1x128xf32> to vector<1x128xf32>
    %get3A_93 = arith.constant 1 : index
    %get3A_94 = arith.constant 0 : index
    %get3A_95 = arith.constant 0 : index
    %get3A_96 = vector.load %arg8[%get3A_93, %get3A_94, %get3A_95] : memref<2x128x128xf32, #tpu.memory_space<vmem>>, vector<1x128x128xf32>
    %get3A_97 = vector.shape_cast %get3A_96 : vector<1x128x128xf32> to vector<128x128xf32>
    %dot_general3A_98 = arith.constant dense<0.000000e+00> : vector<1x128xf32>
    %dot_general3A_99 = tpu.matmul %get3A_87, %get3A_97, %dot_general3A_98 {dimension_numbers = #tpu.dot_dimension_numbers<[1], [0], [0], [1], [0, 0, 1, 1], [], []>, transpose_lhs_hint = false} : vector<1x128xf32>, vector<128x128xf32>, vector<1x128xf32> -> vector<1x128xf32>
    %dot_general3A_100 = arith.constant dense<0.000000e+00> : vector<1x128xf32>
    %dot_general3A_101 = tpu.matmul %get3A_92, %get3A_97, %dot_general3A_100 {dimension_numbers = #tpu.dot_dimension_numbers<[1], [0], [0], [1], [0, 0, 1, 1], [], []>, transpose_lhs_hint = false} : vector<1x128xf32>, vector<128x128xf32>, vector<1x128xf32> -> vector<1x128xf32>
    %add3A_102 = arith.addf %get3A_87, %get3A_92 : vector<1x128xf32>
    %get3A_103 = arith.constant 1 : index
    %get3A_104 = arith.constant 0 : index
    %get3A_105 = vector.load %arg9[%get3A_103, %get3A_104] : memref<2x128xf32, #tpu.memory_space<vmem>>, vector<1x128xf32>
    %get3A_106 = vector.shape_cast %get3A_105 : vector<1x128xf32> to vector<128xf32>
    %broadcast_in_dim3A_107 = vector.shape_cast %get3A_106 : vector<128xf32> to vector<1x128xf32>
    %mul3A_108 = arith.mulf %add3A_102, %broadcast_in_dim3A_107 : vector<1x128xf32>
    %reduce_sum3A_109 = vector.shape_cast %mul3A_108 : vector<1x128xf32> to vector<1x1x128xf32>
    %reduce_sum3A_110 = arith.constant dense<0.000000e+00> : vector<1xf32>
    %reduce_sum3A_111 = vector.multi_reduction <add>, %reduce_sum3A_109, %reduce_sum3A_110 [1, 2] : vector<1x1x128xf32> to vector<1xf32>
    %reduce_sum3A_112 = vector.shape_cast %reduce_sum3A_111 : vector<1xf32> to vector<1x1x1xf32>
    %reduce_sum3A_113 = vector.extract %reduce_sum3A_112[0, 0, 0] : f32 from vector<1x1x1xf32>
    %dot_general3A_114 = arith.constant dense<0.000000e+00> : vector<1x10000xf32>
    %dot_general3A_115 = tpu.matmul %dot_general3A_99, %add3A_80, %dot_general3A_114 {dimension_numbers = #tpu.dot_dimension_numbers<[1], [1], [0], [0], [0, 0, 1, 0], [], []>, transpose_lhs_hint = false} : vector<1x128xf32>, vector<10000x128xf32>, vector<1x10000xf32> -> vector<1x10000xf32>
    %add3A_116 = vector.broadcast %reduce_sum3A_113 : f32 to vector<1x10000xf32>
    %add3A_117 = arith.addf %dot_general3A_115, %add3A_116 : vector<1x10000xf32>
    %swap3A_118 = arith.constant 0 : index
    %swap3A_119 = arith.constant 0 : index
    %swap3A_120 = vector.load %arg12[%swap3A_118, %swap3A_119] : memref<1x10000xf32, #tpu.memory_space<vmem>>, vector<1x10000xf32>
    tpu.vector_store %arg12[%swap3A_118, %swap3A_119], %add3A_117 {strides = array<i32>} : memref<1x10000xf32, #tpu.memory_space<vmem>>, vector<1x10000xf32>,
    %dot_general3A_121 = arith.constant dense<0.000000e+00> : vector<1x10000xf32>
    %dot_general3A_122 = tpu.matmul %dot_general3A_101, %add3A_80, %dot_general3A_121 {dimension_numbers = #tpu.dot_dimension_numbers<[1], [1], [0], [0], [0, 0, 1, 0], [], []>, transpose_lhs_hint = false} : vector<1x128xf32>, vector<10000x128xf32>, vector<1x10000xf32> -> vector<1x10000xf32>
    %swap3A_123 = arith.constant 0 : index
    %swap3A_124 = arith.constant 0 : index
    %swap3A_125 = vector.load %arg13[%swap3A_123, %swap3A_124] : memref<1x10000xf32, #tpu.memory_space<vmem>>, vector<1x10000xf32>
    tpu.vector_store %arg13[%swap3A_123, %swap3A_124], %dot_general3A_122 {strides = array<i32>} : memref<1x10000xf32, #tpu.memory_space<vmem>>, vector<1x10000xf32>,
    return
  }
}

module attributes {stable_mosaic.version = 14 : i64} {
  func.func @_uv_body(%arg0: memref<10000x128xf32, #tpu.memory_space<vmem>>, %arg1: memref<2x128x128xf32, #tpu.memory_space<vmem>>, %arg2: memref<2x128xf32, #tpu.memory_space<vmem>>, %arg3: memref<2x1x256xf32, #tpu.memory_space<vmem>>, %arg4: memref<1x10000xf32, #tpu.memory_space<vmem>>, %arg5: memref<1x10000xf32, #tpu.memory_space<vmem>>) attributes {dimension_semantics = [], scalar_prefetch = 0 : i64, scratch_operands = 0 : i64, tpu.core_type = #tpu.core_type<tc>} {
    %get3A = arith.constant 0 : index
    %get3A_0 = arith.constant 0 : index
    %get3A_1 = arith.constant 0 : index
    %get3A_2 = vector.load %arg3[%get3A, %get3A_0, %get3A_1] : memref<2x1x256xf32, #tpu.memory_space<vmem>>, vector<1x1x128xf32>
    %get3A_3 = vector.shape_cast %get3A_2 : vector<1x1x128xf32> to vector<1x128xf32>
    %get3A_4 = arith.constant 0 : index
    %get3A_5 = arith.constant 0 : index
    %get3A_6 = arith.constant 128 : index
    %get3A_7 = vector.load %arg3[%get3A_4, %get3A_5, %get3A_6] : memref<2x1x256xf32, #tpu.memory_space<vmem>>, vector<1x1x128xf32>
    %get3A_8 = vector.shape_cast %get3A_7 : vector<1x1x128xf32> to vector<1x128xf32>
    %get3A_9 = arith.constant 0 : index
    %get3A_10 = arith.constant 0 : index
    %get3A_11 = arith.constant 0 : index
    %get3A_12 = vector.load %arg1[%get3A_9, %get3A_10, %get3A_11] : memref<2x128x128xf32, #tpu.memory_space<vmem>>, vector<1x128x128xf32>
    %get3A_13 = vector.shape_cast %get3A_12 : vector<1x128x128xf32> to vector<128x128xf32>
    %get3A_14 = arith.constant 0 : index
    %get3A_15 = arith.constant 0 : index
    %get3A_16 = vector.load %arg2[%get3A_14, %get3A_15] : memref<2x128xf32, #tpu.memory_space<vmem>>, vector<1x128xf32>
    %get3A_17 = vector.shape_cast %get3A_16 : vector<1x128xf32> to vector<128xf32>
    %broadcast_in_dim3A = vector.shape_cast %get3A_17 : vector<128xf32> to vector<1x128xf32>
    %dot_general3A = arith.constant dense<0.000000e+00> : vector<1x128xf32>
    %dot_general3A_18 = tpu.matmul %get3A_3, %get3A_13, %dot_general3A {dimension_numbers = #tpu.dot_dimension_numbers<[1], [0], [0], [1], [0, 0, 1, 1], [], []>, transpose_lhs_hint = false} : vector<1x128xf32>, vector<128x128xf32>, vector<1x128xf32> -> vector<1x128xf32>
    %dot_general3A_19 = arith.constant dense<0.000000e+00> : vector<1x128xf32>
    %dot_general3A_20 = tpu.matmul %get3A_8, %get3A_13, %dot_general3A_19 {dimension_numbers = #tpu.dot_dimension_numbers<[1], [0], [0], [1], [0, 0, 1, 1], [], []>, transpose_lhs_hint = false} : vector<1x128xf32>, vector<128x128xf32>, vector<1x128xf32> -> vector<1x128xf32>
    %add3A = arith.addf %get3A_3, %get3A_8 : vector<1x128xf32>
    %mul3A = arith.mulf %add3A, %broadcast_in_dim3A : vector<1x128xf32>
    %reduce_sum3A = vector.shape_cast %mul3A : vector<1x128xf32> to vector<1x1x128xf32>
    %reduce_sum3A_21 = arith.constant dense<0.000000e+00> : vector<1xf32>
    %reduce_sum3A_22 = vector.multi_reduction <add>, %reduce_sum3A, %reduce_sum3A_21 [1, 2] : vector<1x1x128xf32> to vector<1xf32>
    %reduce_sum3A_23 = vector.shape_cast %reduce_sum3A_22 : vector<1xf32> to vector<1x1x1xf32>
    %reduce_sum3A_24 = vector.extract %reduce_sum3A_23[0, 0, 0] : f32 from vector<1x1x1xf32>
    %get3A_25 = arith.constant 0 : index
    %get3A_26 = arith.constant 0 : index
    %get3A_27 = vector.load %arg0[%get3A_25, %get3A_26] : memref<10000x128xf32, #tpu.memory_space<vmem>>, vector<10000x128xf32>
    %dot_general3A_28 = arith.constant dense<0.000000e+00> : vector<1x10000xf32>
    %dot_general3A_29 = tpu.matmul %dot_general3A_18, %get3A_27, %dot_general3A_28 {dimension_numbers = #tpu.dot_dimension_numbers<[1], [1], [0], [0], [0, 0, 1, 0], [], []>, transpose_lhs_hint = false} : vector<1x128xf32>, vector<10000x128xf32>, vector<1x10000xf32> -> vector<1x10000xf32>
    %add3A_30 = vector.broadcast %reduce_sum3A_24 : f32 to vector<1x10000xf32>
    %add3A_31 = arith.addf %dot_general3A_29, %add3A_30 : vector<1x10000xf32>
    %swap3A = arith.constant 0 : index
    %swap3A_32 = arith.constant 0 : index
    %swap3A_33 = vector.load %arg4[%swap3A, %swap3A_32] : memref<1x10000xf32, #tpu.memory_space<vmem>>, vector<1x10000xf32>
    tpu.vector_store %arg4[%swap3A, %swap3A_32], %add3A_31 {strides = array<i32>} : memref<1x10000xf32, #tpu.memory_space<vmem>>, vector<1x10000xf32>,
    %dot_general3A_34 = arith.constant dense<0.000000e+00> : vector<1x10000xf32>
    %dot_general3A_35 = tpu.matmul %dot_general3A_20, %get3A_27, %dot_general3A_34 {dimension_numbers = #tpu.dot_dimension_numbers<[1], [1], [0], [0], [0, 0, 1, 0], [], []>, transpose_lhs_hint = false} : vector<1x128xf32>, vector<10000x128xf32>, vector<1x10000xf32> -> vector<1x10000xf32>
    %swap3A_36 = arith.constant 0 : index
    %swap3A_37 = arith.constant 0 : index
    %swap3A_38 = vector.load %arg5[%swap3A_36, %swap3A_37] : memref<1x10000xf32, #tpu.memory_space<vmem>>, vector<1x10000xf32>
    tpu.vector_store %arg5[%swap3A_36, %swap3A_37], %dot_general3A_35 {strides = array<i32>} : memref<1x10000xf32, #tpu.memory_space<vmem>>, vector<1x10000xf32>,
    return
  }
}

</mosaic_0001>

<sc_bundles>
// kernel: kernel.10.cloned.1.call-start
scs
__scs_entry_jumppad:
0x0: {  	(pc) =	sbr.rel $0x88, $3  }
0x1: {  	(tag) =	ssettag $0x0;
	lr =	simm.s32 $0x1  }
0x2: {  	[smem:$0x3F96] =	sst lr;
	_ =	strace $0xD0000000  }
0x3: {  	_ = 	snop  }
0x4: {  	_ = 	snop  }
0x5: {  	_ = 	snop  }
0x6: {  	_ = 	snop  }
0x7: {  	_ = 	snop  }
__scs_overlays_trampoline_lowered:
0x8: {  	[smem:$0x3FA5] =	sst s0  }
0x9: {  	[smem:$0x3FA6] =	sst s1  }
0xa: {  	[smem:$0x3FA7] =	sst s2  }
0xb: {  	[smem:$0x3FA8] =	sst s3  }
0xc: {  	[smem:$0x3FA9] =	sst s4  }
0xd: {  	[smem:$0x3FAA] =	sst s5  }
0xe: {  	[smem:$0x3FAB] =	sst s6  }
0xf: {  	[smem:$0x3FAC] =	sst s7  }
0x10: {  	[smem:$0x3FAD] =	sst s8  }
0x11: {  	[smem:$0x3FAE] =	sst s9;
	s0 =	simm.s32 @!p0 $0x0  }
0x12: {  	s1 =	sld [smem:$0x3F94];
	s0 =	simm.s32 @p0 $0x1  }
0x13: {  	[smem:$0x3FAF] =	sst s0;
	s0 =	simm.s32 @!p1 $0x0  }
0x14: {  	s2 =	sld [smem:$0x3F93];
	s0 =	simm.s32 @p1 $0x1  }
0x15: {  	[smem:$0x3FB0] =	sst s0;
	s0 =	simm.s32 @!p2 $0x0  }
0x16: {  	s3 =	sld [smem:$0x3FDB];
	s0 =	simm.s32 @p2 $0x1  }
0x17: {  	s4 =	simm.s32 $0x1BF5;
	[smem:$0x3FB2] =	sst s0  }
0x18: {  	s0 =	sld [smem:$0x3F95];
	_ =	swait.ge [sflag:s4], $0x0  }
0x19: {  	s7 =	sld [smem:$0x3F96]  }
0x1a: {  	s8 =	sadd.s32 $0xFFFFE003, lr  }
0x1b: {  	s9 =	sadd.s32 $0xFFFFFEF7, lr;
	s5 =	simm.s32 $0xFFFFFFFF;
	p2 =	slt.u32 s8, $0xFFFFF086  }
0x1c: {  	p1 =	slt.u32 s9, $0xF7A;
	s5 =	simm.s32 @!p2 $0x0  }
0x1d: {  	s5 =	simm.s32 @p1 $0x1;
	p0 =	seq.s32 s7, s2  }
0x1e: {  	s7 =	smul.u32 @!p0 $0xF7A, s2;
	p2 =	seq.s32 @!p0 s5, $0x0  }
0x1f: {  	s9 =	smul.u32 $0xF7A, s1;
	s8 =	simm.s32 @!p0 $0x1BF5;
	p2 =	por !p2, p0  }
0x20: {  	[sflag:s8] =	ssyncset.s32 @!p0 $0xFFFFF086;
	s6 =	sadd.s32 @!p0 s3, s7;
	s7 =	simm.s32 @!p0 $0x108  }
0x21: {  	s3 =	sadd.s32 s3, s9;
	s6 =	sadd.s32 @!p0 $0x88, s6;
	s7 =	simm.s32 @p2 $0x1082  }
0x22: {  	[simem:s7], [sflag:s8] =	dma.local @!p0 [hbm:s6], $0xF7A  }
0x23: {  	s9 =	sor.u32 $0xD0000000, s2;
	s6 =	simm.s32 $0x108;
	_ =	swait.ge @!p0 [sflag:s8], $0x0  }
0x24: {  	s3 =	sadd.s32 $0x88, s3;
	s6 =	simm.s32 @!p1 $0x1082;
	[sflag:s4] =	ssyncset.s32 $0xFFFFF086  }
0x25: {  	[simem:s6], [sflag:s4] =	dma.local [hbm:s3], $0xF7A  }
0x26: {  	[smem:$0x3F96] =	sst s1;
	(tag) =	ssettag s2;
	_ =	strace s9  }
0x27: {  	s1 =	sld [smem:$0x3FA6]  }
0x28: {  	s2 =	sld [smem:$0x3FA7]  }
0x29: {  	s4 =	sld [smem:$0x3FA9]  }
0x2a: {  	p0 =	seq.s32 s5, $0x0;
	s5 =	sld [smem:$0x3FAA]  }
0x2b: {  	s6 =	sld [smem:$0x3FAB]  }
0x2c: {  	s7 =	sld [smem:$0x3FAC]  }
0x2d: {  	s3 =	simm.s32 $0x108;
	s8 =	sld [smem:$0x3FAD]  }
0x2e: {  	s3 =	simm.s32 @!p0 $0x1082;
	s9 =	sld [smem:$0x3FAE]  }
0x2f: {  	lr =	sadd.s32 s0, s3;
	s0 =	sld [smem:$0x3FA5]  }
0x30: {  	s3 =	sld [smem:$0x3FA8]  }
0x31: {  	[smem:$0x3FB1] =	sst s10  }
0x32: {  	s10 =	sld [smem:$0x3FAF];
	_ =	sdelay $0x3  }
0x33: {  	p0 =	seq.s32 s10, $0x1;
	s10 =	sld [smem:$0x3FB1];
	_ =	sdelay $0x3  }
0x34: {  	[smem:$0x3FB1] =	sst s10  }
0x35: {  	s10 =	sld [smem:$0x3FB0];
	_ =	sdelay $0x3  }
0x36: {  	p1 =	seq.s32 s10, $0x1;
	s10 =	sld [smem:$0x3FB1];
	_ =	sdelay $0x3  }
0x37: {  	[smem:$0x3FB1] =	sst s10  }
0x38: {  	s10 =	sld [smem:$0x3FB2]  }
0x39: {  	_ = 	snop;
	(pc) =	sbr.ind lr, $3  }
0x3a: {  	_ = 	snop  }
0x3b: {  	_ = 	snop  }
0x3c: {  	p2 =	seq.s32 s10, $0x1;
	s10 =	sld [smem:$0x3FB1]  }
0x3d: {  	_ =	shalt  }
0x3e: {  	_ =	shalt  }
0x3f: {  	_ =	shalt  }
0x40: {  	_ =	shalt  }
0x41: {  	_ =	shalt  }
0x42: {  	_ =	shalt  }
0x43: {  	_ =	shalt  }
0x44: {  	_ =	shalt  }
0x45: {  	_ =	shalt  }
0x46: {  	_ =	shalt  }
0x47: {  	_ =	shalt  }
0x48: {  	_ =	shalt  }
0x49: {  	_ =	shalt  }
0x4a: {  	_ =	shalt  }
0x4b: {  	_ =	shalt  }
0x4c: {  	_ =	shalt  }
0x4d: {  	_ =	shalt  }
0x4e: {  	_ =	shalt  }
0x4f: {  	_ =	shalt  }
0x50: {  	_ =	shalt  }
0x51: {  	_ =	shalt  }
0x52: {  	_ =	shalt  }
0x53: {  	_ =	shalt  }
0x54: {  	_ =	shalt  }
0x55: {  	_ =	shalt  }
0x56: {  	_ =	shalt  }
0x57: {  	_ =	shalt  }
0x58: {  	_ =	shalt  }
0x59: {  	_ =	shalt  }
0x5a: {  	_ =	shalt  }
0x5b: {  	_ =	shalt  }
0x5c: {  	_ =	shalt  }
0x5d: {  	_ =	shalt  }
0x5e: {  	_ =	shalt  }
0x5f: {  	_ =	shalt  }
0x60: {  	_ =	shalt  }
0x61: {  	_ =	shalt  }
0x62: {  	_ =	shalt  }
0x63: {  	_ =	shalt  }
0x64: {  	_ =	shalt  }
0x65: {  	_ =	shalt  }
0x66: {  	_ =	shalt  }
0x67: {  	_ =	shalt  }
0x68: {  	_ =	shalt  }
0x69: {  	_ =	shalt  }
0x6a: {  	_ =	shalt  }
0x6b: {  	_ =	shalt  }
0x6c: {  	_ =	shalt  }
0x6d: {  	_ =	shalt  }
0x6e: {  	_ =	shalt  }
0x6f: {  	_ =	shalt  }
0x70: {  	_ =	shalt  }
0x71: {  	_ =	shalt  }
0x72: {  	_ =	shalt  }
0x73: {  	_ =	shalt  }
0x74: {  	_ =	shalt  }
0x75: {  	_ =	shalt  }
0x76: {  	_ =	shalt  }
0x77: {  	_ =	shalt  }
0x78: {  	_ =	shalt  }
0x79: {  	_ =	shalt  }
0x7a: {  	_ =	shalt  }
0x7b: {  	_ =	shalt  }
0x7c: {  	_ =	shalt  }
0x7d: {  	_ =	shalt  }
0x7e: {  	_ =	shalt  }
0x7f: {  	_ =	shalt  }
0x80: {  	_ =	shalt  }
0x81: {  	_ =	shalt  }
0x82: {  	_ =	shalt  }
0x83: {  	_ =	shalt  }
0x84: {  	_ =	shalt  }
0x85: {  	_ =	shalt  }
0x86: {  	_ =	shalt  }
0x87: {  	_ =	shalt  }
.Lfunc_end0:
.L_simem_size_0:
called_computation.1_lowered:
.L_overlay_start_0:
0x88: {  	s2 =	sld [smem:$0x3FD9]  }
0x89: {  	s3 =	sld [smem:$0x3FFE];
	_ =	sdelay $0x1  }
0x8a: {  	s1 =	srdreg.scid  }
0x8b: {  	s0 =	sand.u32 $0x1, s1  }
0x8c: {  	s17 =	sshll.u32 s0, $0xA;
	s2 =	sadd.s32 s3, s2  }
0x8d: {  	s2 =	sadd.s32 s2, s17  }
0x8e: {  	[smem:$0x3FBD] =	sst s2  }
0x8f: {  	_ = 	snop  }
0x90: {  	s2 =	sld [smem:$0x3FD0];
	(tm) =	ssettm $0x1  }
0x91: {  	s18 =	sld [smem:$0x3FFB];
	_ =	sdelay $0x3  }
0x92: {  	_ =	strace s18  }
0x93: {  	s3 =	sld [smem:$0x3FFC];
	_ =	sdelay $0x3  }
0x94: {  	_ =	strace s3  }
0x95: {  	s3 =	sld [smem:$0x3FFD];
	_ =	sdelay $0x3  }
0x96: {  	_ =	strace s3  }
0x97: {  	_ =	strace $0x8FFFFFFF  }
0x98: {  	s19 =	sld [smem:$0x3FDB];
	_ =	sdelay $0x1  }
0x99: {  	s4 =	simm.s32 $_scs_section_size  }
0x9a: {  	s5 =	simm.s32 $_size__tile_overlayer_lowered;
	s6 =	simm.s32 $_tile_overlayer_lowered  }
0x9b: {  	s22 =	simm.s32 $0x1BFF;
	s21 =	sshll.u32 s6, $0x1;
	s3 =	sadd.s32 s4, s19  }
0x9c: {  	s7 =	simm.s32 $0x0;
	s20 =	sshll.u32 s5, $0x1;
	s5 =	sadd.s32 s21, s3  }
0x9d: {  	[timem:s7], [sflag:s22] =	dma.local [hbm:s5], s20  }
0x9e: {  	_ =	swait.ge [sflag:s22], s20  }
0x9f: {  	s4 =	ssub.s32 $0x0, s20;
	[sflag:s22] =	ssyncset.done $0x0  }
0xa0: {  	[sflag:s22] =	ssyncadd.s32 s4;
	_ =	sdelay $0x1  }
0xa1: {  	s23 =	simm.s32 $0x1B8B  }
0xa2: {  	_ =	swait.ge [sflag:s23], $0x1  }
0xa3: {  	[sflag:s23] =	ssyncset.done $0x0  }
0xa4: {  	s25 =	simm.s32 $0x1B8E;
	s24 =	sld [smem:$0x3FFE];
	[sflag:s23] =	ssyncadd.s32 $0xFFFFFFFF  }
0xa5: {  	s26 =	simm.s32 $execute0_lowered;
	[smem:$0x3FD2] =	sst s25  }
0xa6: {  	s5 =	sshll.u32 s26, $0x1;
	_ =	strace $0x80000049;
	[dreg:$0x1] =	wrdreg $0xFFFFFFFF  }
0xa7: {  	s28 =	simm.s32 $_size_execute0_lowered;
	s3 =	sadd.s32 s3, s5;
	[dreg:$0x0] =	wrdreg $0x0  }
0xa8: {  	s5 =	sshll.u32 s28, $0x1;
	[dreg:$0x2] =	wrdreg s3  }
0xa9: {  	[dreg:$0x3] =	wrdreg s5  }
0xaa: {  	[dreg:$0x4] =	wrdreg $0xC0  }
0xab: {  	_ =	task [dreg:s7], $0x5FFFF  }
0xac: {  	[dreg:$0x1] =	wrdreg $0xFFFFFFFF  }
0xad: {  	[dreg:$0x0] =	wrdreg $0x60  }
0xae: {  	[dreg:$0x2] =	wrdreg s24  }
0xaf: {  	[dreg:$0x3] =	wrdreg s2  }
0xb0: {  	[dreg:$0x4] =	wrdreg $0x9  }
0xb1: {  	_ =	task.clear_ibuf [dreg:s7], $0x5FFFF;
	_ =	strace $0x90000049  }
0xb2: {  	s29 =	simm.s32 $0x9;
	_ =	strace $0x8000004B  }
0xb3: {  	_ =	swait.ge [sflag:s29], $0x1  }
0xb4: {  	[sflag:s29] =	ssyncadd.s32 $0xFFFFFFFF  }
0xb5: {  	_ =	strace $0x9000004B  }
0xb6: {  	_ =	sfence  }
0xb7: {  	s30 =	sld [smem:$0x0];
	_ =	sdelay $0x2  }
0xb8: {  	s31 =	sshll.u32 s1, $0xD;
	s1 =	sshrl.u32 s1, $0x2  }
0xb9: {  	s3 =	sand.u32 $0x4000, s31;
	s1 =	sadd.s32 s1, s30  }
0xba: {  	s0 =	sor.u32 s3, s0;
	s1 =	sshll.u32 s1, $0x11  }
0xbb: {  	s0 =	sor.u32 s1, s0  }
0xbc: {  	s0 =	sadd.s32 $0x8F2B, s0  }
0xbd: {  	[sflag:s0] =	ssyncadd.remote.s32 $0x1  }
0xbe: {  	_ =	sfence.sel $0xFFFF  }
0xbf: {  	[dreg:$0x0] =	wrdreg $0xFFFFFFFF;
	(pc) =	sbr.abs _section_cstart, $3  }
0xc0: {  	[dreg:$0x1] =	wrdreg $0xFFFFFFFF  }
0xc1: {  	_ =	task.clear_ibuf [dreg:s7], $0x2FFFF;
	_ =	strace $0x9FFFFFFF  }
0xc2: {  	(tm) =	ssettm $0x7FFFFFFF  }
0xc3: {  	_ =	shalt  }
tec
execute0_lowered:
.L_overlay_start_1:
0x0: {  	(tag) =	ssettag $0x1  }
0x1: {  	s5 =	rddreg [dreg:$0x0]  }
0x2: {  	s7 =	rddreg [dreg:$0x1]  }
0x3: {  	s0 =	rddreg [dreg:$0x2]  }
0x4: {  	s2 =	simm.s32 $0x0;
	s3 =	srdreg.scid;
	s1 =	stileid.u32  }
0x5: {  	s12 =	simm.s32 $0x7680;
	s13 =	simm.s32 $0x9E00;
	s14 =	simm.s32 $0x80  }
0x6: {  	s15 =	simm.s32 $0x400;
	s16 =	simm.s32 $0x0;
	[smem:$0x7FF] =	sst s2  }
0x7: {  	s4 =	sand.u32 $0x1, s3;
	s30 =	sshll.u32 s1, $0x1;
	s8 =	sshrl.u32 s1, $0x2  }
0x8: {  	s3 =	sadd.s32 $0x16200, s5;
	_ =	strace $0x8000004A;
	s6 =	sor.u32 s4, s30  }
0x9: {  	s8 =	smul.u32 $0x13C00, s8;
	s10 =	ssub.s32 $0x2, s4;
	s4 =	sadd.s32 $0x16800, s5  }
0xa: {  	s9 =	sshll.u32 s6, $0x7;
	s6 =	smul.u32 $0x4E2, s6;
	s11 =	sshrl.u32 s10, $0x1  }
0xb: {  	s9 =	sand.u32 $0x380, s9;
	s31 =	ssub.s32 s10, s11;
	s10 =	simm.s32 $0x2780  }
0xc: {  	s11 =	simm.s32 $0x4F00;
	s8 =	sor.u32 s8, s9;
	s6 =	sadd.s32 s6, s5  }
0xd: {  	s9 =	simm.s32 $0x1;
	s8 =	sshrl.u32 s8, $0x3;
	s5 =	sadd.s32 $0xC400, s6  }
0xe: {  	v0 =	vimm.f32 $0.0e+00;
	s6 =	sadd.s32 $0x2600, s6;
	s7 =	sadd.s32 s7, s8;
	s8 =	smax.u32 s31, $0x1  }
.LBB2_1:
0xf: {  	[tilespmem:s2], [sflag:$0x1] =	stream.linear.gather [hbm4b:s5+s2], $0x2710, $0x38;
	[tilespmem:$0xC580] =	vst v63  }
0x10: {  	_ =	swait.ge [sflag:s9], $0x2710  }
0x11: {  	[sflag:s9] =	ssyncset.done $0x0  }
0x12: {  	[sflag:s9] =	ssyncadd.s32 $0xFFFFD8F0  }
0x13: {  	[tilespmem:s10], [sflag:$0x1] =	stream.linear.gather [hbm4b:s6+s2], $0x2710, $0x38;
	[tilespmem:$0xC580] =	vst v63  }
0x14: {  	_ =	swait.ge [sflag:s9], $0x2710  }
0x15: {  	[sflag:s9] =	ssyncset.done $0x0  }
0x16: {  	[sflag:s9] =	ssyncadd.s32 $0xFFFFD8F0  }
0x17: {  	[tilespmem:s11], [sflag:$0x1] =	stream.linear.gather [hbm4b:s3+s2], $0x2780, $0x38;
	[tilespmem:$0xC580] =	vst v63  }
0x18: {  	_ =	swait.ge [sflag:s9], $0x2780  }
0x19: {  	[sflag:s9] =	ssyncset.done $0x0  }
0x1a: {  	[sflag:s9] =	ssyncadd.s32 $0xFFFFD880  }
0x1b: {  	[tilespmem:s12], [sflag:$0x1] =	stream.linear.gather [hbm4b:s4+s2], $0x2780, $0x38;
	[tilespmem:$0xC580] =	vst v63  }
0x1c: {  	_ =	swait.ge [sflag:s9], $0x2780  }
0x1d: {  	[sflag:s9] =	ssyncset.done $0x0  }
0x1e: {  	s17 =	simm.s32 $0x9E40;
	[sflag:s9] =	ssyncadd.s32 $0xFFFFD880  }
0x1f: {  	[tilespmem:s17+$0xFFFFFFC0] =	vst v0  }
0x20: {  	[tilespmem:s17+$0x30] =	vst v0  }
0x21: {  	[tilespmem:s17+$0x20] =	vst v0  }
0x22: {  	[tilespmem:s17+$0x10] =	vst v0  }
0x23: {  	[tilespmem:s17+$0x0] =	vst v0  }
0x24: {  	[tilespmem:s17+$0xFFFFFFF0] =	vst v0  }
0x25: {  	s18 =	simm.s32 $0x0;
	[tilespmem:s17+$0xFFFFFFE0] =	vst v0  }
.LBB2_2:
0x26: {  	s18 =	sadd.s32 $0x8, s18;
	[tilespmem:s17+$0xFFFFFFD0] =	vst v0;
	s17 =	sadd.s32 $0x80, s17  }
0x27: {  	[tilespmem:s17+$0xFFFFFFC0] =	vst v0;
	p0 =	slt.u32 s18, $0x268  }
0x28: {  	[tilespmem:s17+$0x30] =	vst v0  }
.Ltmp0:
0x29: {  	[tilespmem:s17+$0x20] =	vst v0;
	(pc) =	sbr.rel @p0 .LBB2_2-.Ltmp0, $4  }
0x2a: {  	[tilespmem:s17+$0x10] =	vst v0  }
0x2b: {  	[tilespmem:s17+$0x0] =	vst v0  }
0x2c: {  	[tilespmem:s17+$0xFFFFFFF0] =	vst v0  }
0x2d: {  	[tilespmem:s17+$0xFFFFFFE0] =	vst v0  }
0x2e: {  	[tilespmem:s17+$0xFFFFFFD0] =	vst v0  }
0x2f: {  	s18 =	simm.s32 $0x40;
	[tilespmem:$0xC500] =	vst v0  }
0x30: {  	s17 =	simm.s32 $0x27C0;
	v4 =	vld [tilespmem:s18+$0x30]  }
0x31: {  	v12 =	vld [tilespmem:s17+$0x30]  }
0x32: {  	v1 =	vld [tilespmem:s17+$0xFFFFFFC0]  }
0x33: {  	v8 =	vld [tilespmem:s18+$0xFFFFFFD0]  }
0x34: {  	v2 =	vld [tilespmem:s17+$0xFFFFFFD0]  }
0x35: {  	v9 =	vld [tilespmem:s18+$0xFFFFFFE0]  }
0x36: {  	v3 =	vld [tilespmem:s17+$0xFFFFFFE0]  }
0x37: {  	v10 =	vld [tilespmem:s18+$0xFFFFFFF0]  }
0x38: {  	v14 =	vld [tilespmem:s18+$0x0]  }
0x39: {  	v5 =	vld [tilespmem:s17+$0x0]  }
0x3a: {  	v15 =	vld [tilespmem:s18+$0x10]  }
0x3b: {  	v6 =	vld [tilespmem:s17+$0x10]  }
0x3c: {  	v16 =	vld [tilespmem:s18+$0x20]  }
0x3d: {  	v7 =	vld [tilespmem:s17+$0x20]  }
0x3e: {  	v17 =	vld [tilespmem:s18+$0xFFFFFFC0]  }
0x3f: {  	v11 =	vld.idx.msk [tilespmem:v4+s11+$0x0], $0xffff  }
0x40: {  	v13 =	vld.idx.msk [tilespmem:v12+s12+$0x0], $0xffff  }
0x41: {  	v4 =	vld [tilespmem:s17+$0xFFFFFFF0]  }
0x42: {  	v18 =	vld.idx.msk [tilespmem:v1+s12+$0x0], $0xffff  }
0x43: {  	v8 =	vld.idx.msk [tilespmem:v8+s11+$0x0], $0xffff  }
0x44: {  	v19 =	vld.idx.msk [tilespmem:v2+s12+$0x0], $0xffff  }
0x45: {  	v9 =	vld.idx.msk [tilespmem:v9+s11+$0x0], $0xffff  }
0x46: {  	v10 =	vld.idx.msk [tilespmem:v10+s11+$0x0], $0xffff  }
0x47: {  	v17 =	vld.idx.msk [tilespmem:v17+s11+$0x0], $0xffff;
	v11 =	vadd.f32 v13, v11  }
0x48: {  	v13 =	vld.idx.msk [tilespmem:v3+s12+$0x0], $0xffff  }
0x49: {  	v14 =	vld.idx.msk [tilespmem:v14+s11+$0x0], $0xffff;
	v20 =	vmul.f32 $2.000000030e-01, v11  }
0x4a: {  	v56 =	vld.idx.msk [tilespmem:v5+s12+$0x0], $0xffff;
	vm0 =	vge.f32 v11, $0.0e+00  }
0x4b: {  	v21 =	vld.idx.msk [tilespmem:v4+s12+$0x0], $0xffff;
	v11 =	vsel vm0, v11, v20  }
0x4c: {  	v8 =	vadd.f32 v19, v8;
	v11 =	vmul.f32 $1.442695020e+00, v11  }
0x4d: {  	v17 =	vadd.f32 v18, v17;
	v9 =	vadd.f32 v13, v9;
	v13 =	vld.idx.msk [tilespmem:v15+s11+$0x0], $0xffff  }
0x4e: {  	v15 =	vld.idx.msk [tilespmem:v6+s12+$0x0], $0xffff;
	(erf) = vpow2.f32 v11  }
0x4f: {  	v14 =	vadd.f32 v56, v14;
	v59 =	vmul.f32 $2.000000030e-01, v17;
	v11 =	vmul.f32 $2.000000030e-01, v8  }
0x50: {  	v16 =	vld.idx.msk [tilespmem:v16+s11+$0x0], $0xffff;
	vm0 =	vge.f32 v8, $0.0e+00;
	v57 =	vmul.f32 $2.000000030e-01, v9;
	v10 =	vadd.f32 v21, v10  }
0x51: {  	v62 =	vmul.f32 $2.000000030e-01, v14;
	vm1 =	vge.f32 v9, $0.0e+00;
	v8 =	vsel vm0, v8, v11;
	v11 =	vld.idx.msk [tilespmem:v7+s12+$0x0], $0xffff  }
0x52: {  	v9 =	vsel vm1, v9, v57;
	vm1 =	vge.f32 v17, $0.0e+00;
	v58 =	vmul.f32 $2.000000030e-01, v10  }
0x53: {  	vm0 =	vge.f32 v10, $0.0e+00;
	v60 =	vmul.f32 $1.442695020e+00, v8;
	v13 =	vadd.f32 v15, v13  }
0x54: {  	v61 =	vmul.f32 $1.442695020e+00, v9;
	v8 =	vsel vm0, v10, v58;
	vm0 =	vge.f32 v14, $0.0e+00  }
0x55: {  	v10 =	vsel vm1, v17, v59;
	(erf) = vpow2.f32 v60;
	vm1 =	vge.f32 v13, $0.0e+00  }
0x56: {  	v15 =	vmul.f32 $2.000000030e-01, v13;
	v8 =	vmul.f32 $1.442695020e+00, v8;
	v9 =	vadd.f32 v11, v16  }
0x57: {  	v10 =	vmul.f32 $1.442695020e+00, v10;
	v11 =	vsel vm0, v14, v62;
	v63 =	vpop (erf);
	(erf) = vpow2.f32 v61  }
0x58: {  	s19 =	simm.s32 $0xC0;
	s18 =	simm.s32 $0x0;
	v13 =	vsel vm1, v13, v15;
	vm0 =	vge.f32 v9, $0.0e+00;
	[tilespmem:v12+s13+$0x0] =	vst.idx.add.f32.msk $0xffff, v63;
	v12 =	vmul.f32 $2.000000030e-01, v9  }
.LBB2_4:
0x59: {  	v14 =	vld [tilespmem:s19+$0x30];
	v11 =	vmul.f32 $1.442695020e+00, v11;
	v13 =	vmul.f32 $1.442695020e+00, v13;
	s17 =	sadd.s32 $0x80, s17  }
0x5a: {  	s18 =	sadd.s32 $0x8, s18;
	v15 =	vld [tilespmem:s17+$0x30];
	v9 =	vsel vm0, v9, v12;
	(erf) = vpow2.f32 v10  }
0x5b: {  	p0 =	slt.u32 s18, $0x268;
	v10 =	vld [tilespmem:s17+$0xFFFFFFC0];
	v9 =	vmul.f32 $1.442695020e+00, v9;
	(erf) = vpow2.f32 v8  }
0x5c: {  	v8 =	vld [tilespmem:s19+$0xFFFFFFD0];
	(erf) = vpow2.f32 v11  }
0x5d: {  	v11 =	vld [tilespmem:s17+$0xFFFFFFD0];
	(erf) = vpow2.f32 v13  }
0x5e: {  	v12 =	vld [tilespmem:s19+$0xFFFFFFE0];
	v13 =	vpop (erf);
	(erf) = vpow2.f32 v9  }
0x5f: {  	v9 =	vld [tilespmem:s17+$0xFFFFFFE0]  }
0x60: {  	v16 =	vld [tilespmem:s19+$0xFFFFFFF0];
	v17 =	vpop (erf)  }
0x61: {  	v14 =	vld.idx.msk [tilespmem:v14+s11+$0x0], $0xffff  }
0x62: {  	v18 =	vld.idx.msk [tilespmem:v15+s12+$0x0], $0xffff  }
0x63: {  	v19 =	vld [tilespmem:s17+$0xFFFFFFF0];
	v20 =	vpop (erf)  }
0x64: {  	v21 =	vld [tilespmem:s19+$0x0];
	v22 =	vpop (erf)  }
0x65: {  	v23 =	vld [tilespmem:s17+$0x0];
	v24 =	vpop (erf)  }
0x66: {  	v25 =	vld [tilespmem:s19+$0x10];
	v26 =	vpop (erf)  }
0x67: {  	v27 =	vld [tilespmem:s17+$0x10];
	v28 =	vpop (erf)  }
0x68: {  	v14 =	vadd.f32 v18, v14;
	v29 =	vld [tilespmem:s19+$0x20]  }
0x69: {  	v18 =	vld [tilespmem:s17+$0x20]  }
0x6a: {  	v31 =	vmul.f32 $2.000000030e-01, v14;
	v30 =	vld [tilespmem:s19+$0xFFFFFFC0]  }
0x6b: {  	vm0 =	vge.f32 v14, $0.0e+00;
	v32 =	vld.idx.msk [tilespmem:v10+s12+$0x0], $0xffff  }
0x6c: {  	v14 =	vsel vm0, v14, v31;
	v8 =	vld.idx.msk [tilespmem:v8+s11+$0x0], $0xffff  }
0x6d: {  	v14 =	vmul.f32 $1.442695020e+00, v14;
	v31 =	vld.idx.msk [tilespmem:v11+s12+$0x0], $0xffff  }
0x6e: {  	v12 =	vld.idx.msk [tilespmem:v12+s11+$0x0], $0xffff  }
0x6f: {  	v33 =	vld.idx.msk [tilespmem:v9+s12+$0x0], $0xffff;
	(erf) = vpow2.f32 v14  }
0x70: {  	v14 =	vld.idx.msk [tilespmem:v16+s11+$0x0], $0xffff  }
0x71: {  	v16 =	vld.idx.msk [tilespmem:v19+s12+$0x0], $0xffff  }
0x72: {  	v30 =	vld.idx.msk [tilespmem:v30+s11+$0x0], $0xffff  }
0x73: {  	v8 =	vadd.f32 v31, v8;
	v21 =	vld.idx.msk [tilespmem:v21+s11+$0x0], $0xffff  }
0x74: {  	v31 =	vld.idx.msk [tilespmem:v23+s12+$0x0], $0xffff  }
0x75: {  	vm0 =	vge.f32 v8, $0.0e+00;
	v34 =	vmul.f32 $2.000000030e-01, v8;
	v12 =	vadd.f32 v33, v12;
	v25 =	vld.idx.msk [tilespmem:v25+s11+$0x0], $0xffff  }
0x76: {  	v33 =	vld.idx.msk [tilespmem:v27+s12+$0x0], $0xffff  }
0x77: {  	vm1 =	vge.f32 v12, $0.0e+00;
	v35 =	vmul.f32 $2.000000030e-01, v12;
	v14 =	vadd.f32 v16, v14;
	v16 =	vld.idx.msk [tilespmem:v29+s11+$0x0], $0xffff  }
0x78: {  	v8 =	vsel vm0, v8, v34;
	v29 =	vadd.f32 v32, v30;
	v30 =	vld.idx.msk [tilespmem:v18+s12+$0x0], $0xffff;
	v32 =	vpop (erf)  }
0x79: {  	v12 =	vsel vm1, v12, v35;
	vm0 =	vge.f32 v14, $0.0e+00;
	v34 =	vmul.f32 $2.000000030e-01, v14;
	[tilespmem:v15+s13+$0x0] =	vst.idx.add.f32.msk $0xffff, v32  }
0x7a: {  	vm1 =	vge.f32 v29, $0.0e+00;
	v15 =	vmul.f32 $2.000000030e-01, v29;
	v21 =	vadd.f32 v31, v21;
	[tilespmem:v1+s13+$0x0] =	vst.idx.add.f32.msk $0xffff, v20;
	v1 =	vmovc v10  }
0x7b: {  	v12 =	vmul.f32 $1.442695020e+00, v12;
	v10 =	vmul.f32 $1.442695020e+00, v8;
	v8 =	vsel vm0, v14, v34;
	[tilespmem:v2+s13+$0x0] =	vst.idx.add.f32.msk $0xffff, v13;
	v2 =	vmovc v11  }
.Ltmp1:
0x7c: {  	vm0 =	vge.f32 v21, $0.0e+00;
	v11 =	vmul.f32 $2.000000030e-01, v21;
	v13 =	vadd.f32 v33, v25;
	[tilespmem:v3+s13+$0x0] =	vst.idx.add.f32.msk $0xffff, v17;
	v3 =	vmovc v9;
	(pc) =	sbr.rel @p0 .LBB2_4-.Ltmp1, $4  }
0x7d: {  	v14 =	vsel vm1, v29, v15;
	v8 =	vmul.f32 $1.442695020e+00, v8;
	(erf) = vpow2.f32 v10;
	[tilespmem:v4+s13+$0x0] =	vst.idx.add.f32.msk $0xffff, v22;
	v4 =	vmovc v19  }
0x7e: {  	vm1 =	vge.f32 v13, $0.0e+00;
	v15 =	vmul.f32 $2.000000030e-01, v13;
	v9 =	vadd.f32 v30, v16;
	[tilespmem:v5+s13+$0x0] =	vst.idx.add.f32.msk $0xffff, v24;
	v5 =	vmovc v23  }
0x7f: {  	v10 =	vmul.f32 $1.442695020e+00, v14;
	v11 =	vsel vm0, v21, v11;
	(erf) = vpow2.f32 v12;
	[tilespmem:v6+s13+$0x0] =	vst.idx.add.f32.msk $0xffff, v26;
	v6 =	vmovc v27  }
0x80: {  	s19 =	sadd.s32 $0x80, s19;
	v13 =	vsel vm1, v13, v15;
	vm0 =	vge.f32 v9, $0.0e+00;
	v12 =	vmul.f32 $2.000000030e-01, v9;
	[tilespmem:v7+s13+$0x0] =	vst.idx.add.f32.msk $0xffff, v28;
	v7 =	vmovc v18  }
0x81: {  	(erf) = vpow2.f32 v10;
	v58 =	vmul.f32 $1.442695020e+00, v11  }
0x82: {  	v59 =	vmul.f32 $1.442695020e+00, v13;
	v9 =	vsel vm0, v9, v12;
	(erf) = vpow2.f32 v8  }
0x83: {  	v60 =	vmul.f32 $1.442695020e+00, v9;
	(erf) = vpow2.f32 v58  }
0x84: {  	(erf) = vpow2.f32 v59  }
0x85: {  	(erf) = vpow2.f32 v60;
	_ =	sdelay $0x2  }
0x86: {  	v61 =	vpop (erf)  }
0x87: {  	[tilespmem:v2+s13+$0x0] =	vst.idx.add.f32.msk $0xffff, v61;
	v62 =	vpop (erf)  }
0x88: {  	[tilespmem:v3+s13+$0x0] =	vst.idx.add.f32.msk $0xffff, v62;
	v63 =	vpop (erf)  }
0x89: {  	[tilespmem:v1+s13+$0x0] =	vst.idx.add.f32.msk $0xffff, v63;
	v1 =	vpop (erf)  }
0x8a: {  	v2 =	vpop (erf);
	[tilespmem:v4+s13+$0x0] =	vst.idx.add.f32.msk $0xffff, v1  }
0x8b: {  	v1 =	vpop (erf);
	[tilespmem:v5+s13+$0x0] =	vst.idx.add.f32.msk $0xffff, v2  }
0x8c: {  	v2 =	vpop (erf);
	[tilespmem:v6+s13+$0x0] =	vst.idx.add.f32.msk $0xffff, v1  }
0x8d: {  	[tilespmem:v7+s13+$0x0] =	vst.idx.add.f32.msk $0xffff, v2  }
0x8e: {  	v1 =	vld [tilespmem:$0x2700]  }
0x8f: {  	v2 =	vld [tilespmem:$0x4E80];
	_ =	sdelay $0x6  }
0x90: {  	v1 =	vld.idx.msk [tilespmem:v1+s11+$0x0], $0xffff  }
0x91: {  	v3 =	vld.idx.msk [tilespmem:v2+s12+$0x0], $0xffff;
	_ =	sdelay $0x4  }
0x92: {  	v1 =	vadd.f32 v3, v1;
	_ =	sdelay $0x1  }
0x93: {  	v3 =	vmul.f32 $2.000000030e-01, v1  }
0x94: {  	vm15 =	vge.f32 v1, $0.0e+00  }
0x95: {  	v1 =	vsel vm15, v1, v3  }
0x96: {  	v1 =	vmul.f32 $1.442695020e+00, v1;
	_ =	sdelay $0x1  }
0x97: {  	(erf) = vpow2.f32 v1;
	_ =	sdelay $0x7  }
0x98: {  	s16 =	sadd.s32 $0x1, s16  }
0x99: {  	p0 =	sne.s32 s16, s8;
	v1 =	vpop (erf)  }
.Ltmp2:
0x9a: {  	[tilespmem:v2+s13+$0x0] =	vst.idx.add.f32.msk $0xffff, v1;
	(pc) =	sbr.rel @p0 .LBB2_1-.Ltmp2, $4  }
0x9b: {  	[hbm4b:s7+s14] =	stream.strided.scatter [tilespmem:s13], [sflag:$0x1], $0x2780, s15, s14, $0x38;
	[tilespmem:$0xC580] =	vst v63  }
0x9c: {  	_ =	swait.ge [sflag:s9], $0x2780  }
0x9d: {  	[sflag:s9] =	ssyncset.done $0x0  }
0x9e: {  	[sflag:s9] =	ssyncadd.s32 $0xFFFFD880  }
0x9f: {  	_ =	sfence.sel $0x180000  }
0xa0: {  	[bflag:$0x0] =	sbarrier.arrive $0xFFFF  }
0xa1: {  	p0 =	sne.s32 s1, $0x0;
	_ =	strace $0x9000004A  }
0xa2: {  	s0 =	sadd.s32 @!p0 $0x100000, s0;
	[bflag:$0x2] =	sbarrier.arrive $0xFFFF  }
0xa3: {  	[sflag:s0] =	ssyncadd.tile.s32 @!p0 $0x1;
	_ =	shalt  }
.Lfunc_end2:
_tile_overlayer_lowered:
.L_overlay_start_2:
0xa4: {  	(tag) =	ssettag $0x2  }
0xa5: {  	s0 =	rddreg [dreg:$0x0];
	s2 =	stileid.u32  }
0xa6: {  	s1 =	rddreg [dreg:$0x1];
	p0 =	sne.s32 s2, $0x0  }
0xa7: {  	s3 =	rddreg [dreg:$0x2];
	[bflag:$0x3] =	sbarrier.arrive $0xFFFF;
	s2 =	simm.s32 @!p0 $0x1C01  }
0xa8: {  	[timem:s3], [sflag:s2] =	dma.local @!p0 [hbm:s0], s1  }
0xa9: {  	s0 =	simm.s32 @!p0 $0x1  }
0xaa: {  	_ =	swait.ge @!p0 [sflag:s0], s1  }
0xab: {  	s1 =	ssub.s32 @!p0 $0x0, s1;
	[sflag:s0] =	ssyncset.done @!p0 $0x0  }
0xac: {  	[sflag:s0] =	ssyncadd.s32 @!p0 s1  }
0xad: {  	[bflag:$0x3] =	sbarrier.arrive $0xFFFF  }
0xae: {  	_ =	shalt  }

// kernel: kernel.7.cloned.1.call-start
scs
__scs_entry_jumppad:
0x0: {  	(pc) =	sbr.rel $0x88, $3  }
0x1: {  	(tag) =	ssettag $0x0;
	lr =	simm.s32 $0x1  }
0x2: {  	[smem:$0x3F96] =	sst lr;
	_ =	strace $0xD0000000  }
0x3: {  	_ = 	snop  }
0x4: {  	_ = 	snop  }
0x5: {  	_ = 	snop  }
0x6: {  	_ = 	snop  }
0x7: {  	_ = 	snop  }
__scs_overlays_trampoline_lowered:
0x8: {  	[smem:$0x3FA5] =	sst s0  }
0x9: {  	[smem:$0x3FA6] =	sst s1  }
0xa: {  	[smem:$0x3FA7] =	sst s2  }
0xb: {  	[smem:$0x3FA8] =	sst s3  }
0xc: {  	[smem:$0x3FA9] =	sst s4  }
0xd: {  	[smem:$0x3FAA] =	sst s5  }
0xe: {  	[smem:$0x3FAB] =	sst s6  }
0xf: {  	[smem:$0x3FAC] =	sst s7  }
0x10: {  	[smem:$0x3FAD] =	sst s8  }
0x11: {  	[smem:$0x3FAE] =	sst s9;
	s0 =	simm.s32 @!p0 $0x0  }
0x12: {  	s1 =	sld [smem:$0x3F94];
	s0 =	simm.s32 @p0 $0x1  }
0x13: {  	[smem:$0x3FAF] =	sst s0;
	s0 =	simm.s32 @!p1 $0x0  }
0x14: {  	s2 =	sld [smem:$0x3F93];
	s0 =	simm.s32 @p1 $0x1  }
0x15: {  	[smem:$0x3FB0] =	sst s0;
	s0 =	simm.s32 @!p2 $0x0  }
0x16: {  	s3 =	sld [smem:$0x3FDB];
	s0 =	simm.s32 @p2 $0x1  }
0x17: {  	s4 =	simm.s32 $0x1BF5;
	[smem:$0x3FB2] =	sst s0  }
0x18: {  	s0 =	sld [smem:$0x3F95];
	_ =	swait.ge [sflag:s4], $0x0  }
0x19: {  	s7 =	sld [smem:$0x3F96]  }
0x1a: {  	s8 =	sadd.s32 $0xFFFFE003, lr  }
0x1b: {  	s9 =	sadd.s32 $0xFFFFFEF7, lr;
	s5 =	simm.s32 $0xFFFFFFFF;
	p2 =	slt.u32 s8, $0xFFFFF086  }
0x1c: {  	p1 =	slt.u32 s9, $0xF7A;
	s5 =	simm.s32 @!p2 $0x0  }
0x1d: {  	s5 =	simm.s32 @p1 $0x1;
	p0 =	seq.s32 s7, s2  }
0x1e: {  	s7 =	smul.u32 @!p0 $0xF7A, s2;
	p2 =	seq.s32 @!p0 s5, $0x0  }
0x1f: {  	s9 =	smul.u32 $0xF7A, s1;
	s8 =	simm.s32 @!p0 $0x1BF5;
	p2 =	por !p2, p0  }
0x20: {  	[sflag:s8] =	ssyncset.s32 @!p0 $0xFFFFF086;
	s6 =	sadd.s32 @!p0 s3, s7;
	s7 =	simm.s32 @!p0 $0x108  }
0x21: {  	s3 =	sadd.s32 s3, s9;
	s6 =	sadd.s32 @!p0 $0x88, s6;
	s7 =	simm.s32 @p2 $0x1082  }
0x22: {  	[simem:s7], [sflag:s8] =	dma.local @!p0 [hbm:s6], $0xF7A  }
0x23: {  	s9 =	sor.u32 $0xD0000000, s2;
	s6 =	simm.s32 $0x108;
	_ =	swait.ge @!p0 [sflag:s8], $0x0  }
0x24: {  	s3 =	sadd.s32 $0x88, s3;
	s6 =	simm.s32 @!p1 $0x1082;
	[sflag:s4] =	ssyncset.s32 $0xFFFFF086  }
0x25: {  	[simem:s6], [sflag:s4] =	dma.local [hbm:s3], $0xF7A  }
0x26: {  	[smem:$0x3F96] =	sst s1;
	(tag) =	ssettag s2;
	_ =	strace s9  }
0x27: {  	s1 =	sld [smem:$0x3FA6]  }
0x28: {  	s2 =	sld [smem:$0x3FA7]  }
0x29: {  	s4 =	sld [smem:$0x3FA9]  }
0x2a: {  	p0 =	seq.s32 s5, $0x0;
	s5 =	sld [smem:$0x3FAA]  }
0x2b: {  	s6 =	sld [smem:$0x3FAB]  }
0x2c: {  	s7 =	sld [smem:$0x3FAC]  }
0x2d: {  	s3 =	simm.s32 $0x108;
	s8 =	sld [smem:$0x3FAD]  }
0x2e: {  	s3 =	simm.s32 @!p0 $0x1082;
	s9 =	sld [smem:$0x3FAE]  }
0x2f: {  	lr =	sadd.s32 s0, s3;
	s0 =	sld [smem:$0x3FA5]  }
0x30: {  	s3 =	sld [smem:$0x3FA8]  }
0x31: {  	[smem:$0x3FB1] =	sst s10  }
0x32: {  	s10 =	sld [smem:$0x3FAF];
	_ =	sdelay $0x3  }
0x33: {  	p0 =	seq.s32 s10, $0x1;
	s10 =	sld [smem:$0x3FB1];
	_ =	sdelay $0x3  }
0x34: {  	[smem:$0x3FB1] =	sst s10  }
0x35: {  	s10 =	sld [smem:$0x3FB0];
	_ =	sdelay $0x3  }
0x36: {  	p1 =	seq.s32 s10, $0x1;
	s10 =	sld [smem:$0x3FB1];
	_ =	sdelay $0x3  }
0x37: {  	[smem:$0x3FB1] =	sst s10  }
0x38: {  	s10 =	sld [smem:$0x3FB2]  }
0x39: {  	_ = 	snop;
	(pc) =	sbr.ind lr, $3  }
0x3a: {  	_ = 	snop  }
0x3b: {  	_ = 	snop  }
0x3c: {  	p2 =	seq.s32 s10, $0x1;
	s10 =	sld [smem:$0x3FB1]  }
0x3d: {  	_ =	shalt  }
0x3e: {  	_ =	shalt  }
0x3f: {  	_ =	shalt  }
0x40: {  	_ =	shalt  }
0x41: {  	_ =	shalt  }
0x42: {  	_ =	shalt  }
0x43: {  	_ =	shalt  }
0x44: {  	_ =	shalt  }
0x45: {  	_ =	shalt  }
0x46: {  	_ =	shalt  }
0x47: {  	_ =	shalt  }
0x48: {  	_ =	shalt  }
0x49: {  	_ =	shalt  }
0x4a: {  	_ =	shalt  }
0x4b: {  	_ =	shalt  }
0x4c: {  	_ =	shalt  }
0x4d: {  	_ =	shalt  }
0x4e: {  	_ =	shalt  }
0x4f: {  	_ =	shalt  }
0x50: {  	_ =	shalt  }
0x51: {  	_ =	shalt  }
0x52: {  	_ =	shalt  }
0x53: {  	_ =	shalt  }
0x54: {  	_ =	shalt  }
0x55: {  	_ =	shalt  }
0x56: {  	_ =	shalt  }
0x57: {  	_ =	shalt  }
0x58: {  	_ =	shalt  }
0x59: {  	_ =	shalt  }
0x5a: {  	_ =	shalt  }
0x5b: {  	_ =	shalt  }
0x5c: {  	_ =	shalt  }
0x5d: {  	_ =	shalt  }
0x5e: {  	_ =	shalt  }
0x5f: {  	_ =	shalt  }
0x60: {  	_ =	shalt  }
0x61: {  	_ =	shalt  }
0x62: {  	_ =	shalt  }
0x63: {  	_ =	shalt  }
0x64: {  	_ =	shalt  }
0x65: {  	_ =	shalt  }
0x66: {  	_ =	shalt  }
0x67: {  	_ =	shalt  }
0x68: {  	_ =	shalt  }
0x69: {  	_ =	shalt  }
0x6a: {  	_ =	shalt  }
0x6b: {  	_ =	shalt  }
0x6c: {  	_ =	shalt  }
0x6d: {  	_ =	shalt  }
0x6e: {  	_ =	shalt  }
0x6f: {  	_ =	shalt  }
0x70: {  	_ =	shalt  }
0x71: {  	_ =	shalt  }
0x72: {  	_ =	shalt  }
0x73: {  	_ =	shalt  }
0x74: {  	_ =	shalt  }
0x75: {  	_ =	shalt  }
0x76: {  	_ =	shalt  }
0x77: {  	_ =	shalt  }
0x78: {  	_ =	shalt  }
0x79: {  	_ =	shalt  }
0x7a: {  	_ =	shalt  }
0x7b: {  	_ =	shalt  }
0x7c: {  	_ =	shalt  }
0x7d: {  	_ =	shalt  }
0x7e: {  	_ =	shalt  }
0x7f: {  	_ =	shalt  }
0x80: {  	_ =	shalt  }
0x81: {  	_ =	shalt  }
0x82: {  	_ =	shalt  }
0x83: {  	_ =	shalt  }
0x84: {  	_ =	shalt  }
0x85: {  	_ =	shalt  }
0x86: {  	_ =	shalt  }
0x87: {  	_ =	shalt  }
.Lfunc_end0:
.L_simem_size_0:
called_computation_lowered:
.L_overlay_start_0:
0x88: {  	s2 =	sld [smem:$0x3FD9]  }
0x89: {  	s3 =	sld [smem:$0x3FFE];
	_ =	sdelay $0x1  }
0x8a: {  	s1 =	srdreg.scid  }
0x8b: {  	s0 =	sand.u32 $0x1, s1  }
0x8c: {  	s17 =	sshll.u32 s0, $0xA;
	s2 =	sadd.s32 s3, s2  }
0x8d: {  	s2 =	sadd.s32 s2, s17  }
0x8e: {  	[smem:$0x3FBD] =	sst s2  }
0x8f: {  	_ = 	snop  }
0x90: {  	s2 =	sld [smem:$0x3FD0];
	(tm) =	ssettm $0x1  }
0x91: {  	s18 =	sld [smem:$0x3FFB];
	_ =	sdelay $0x3  }
0x92: {  	_ =	strace s18  }
0x93: {  	s3 =	sld [smem:$0x3FFC];
	_ =	sdelay $0x3  }
0x94: {  	_ =	strace s3  }
0x95: {  	s3 =	sld [smem:$0x3FFD];
	_ =	sdelay $0x3  }
0x96: {  	_ =	strace s3  }
0x97: {  	_ =	strace $0x8FFFFFFF  }
0x98: {  	s19 =	sld [smem:$0x3FDB];
	_ =	sdelay $0x1  }
0x99: {  	s4 =	simm.s32 $_scs_section_size  }
0x9a: {  	s5 =	simm.s32 $_size__tile_overlayer_lowered;
	s6 =	simm.s32 $_tile_overlayer_lowered  }
0x9b: {  	s22 =	simm.s32 $0x1BFF;
	s21 =	sshll.u32 s6, $0x1;
	s3 =	sadd.s32 s4, s19  }
0x9c: {  	s7 =	simm.s32 $0x0;
	s20 =	sshll.u32 s5, $0x1;
	s5 =	sadd.s32 s21, s3  }
0x9d: {  	[timem:s7], [sflag:s22] =	dma.local [hbm:s5], s20  }
0x9e: {  	_ =	swait.ge [sflag:s22], s20  }
0x9f: {  	s4 =	ssub.s32 $0x0, s20;
	[sflag:s22] =	ssyncset.done $0x0  }
0xa0: {  	[sflag:s22] =	ssyncadd.s32 s4;
	_ =	sdelay $0x1  }
0xa1: {  	s23 =	simm.s32 $0x1B8B  }
0xa2: {  	_ =	swait.ge [sflag:s23], $0x1  }
0xa3: {  	[sflag:s23] =	ssyncset.done $0x0  }
0xa4: {  	s25 =	simm.s32 $0x1B8E;
	s24 =	sld [smem:$0x3FFE];
	[sflag:s23] =	ssyncadd.s32 $0xFFFFFFFF  }
0xa5: {  	s26 =	simm.s32 $execute0_lowered;
	[smem:$0x3FD2] =	sst s25  }
0xa6: {  	s5 =	sshll.u32 s26, $0x1;
	_ =	strace $0x80000046;
	[dreg:$0x1] =	wrdreg $0xFFFFFFFF  }
0xa7: {  	s28 =	simm.s32 $_size_execute0_lowered;
	s3 =	sadd.s32 s3, s5;
	[dreg:$0x0] =	wrdreg $0x0  }
0xa8: {  	s5 =	sshll.u32 s28, $0x1;
	[dreg:$0x2] =	wrdreg s3  }
0xa9: {  	[dreg:$0x3] =	wrdreg s5  }
0xaa: {  	[dreg:$0x4] =	wrdreg $0xC0  }
0xab: {  	_ =	task [dreg:s7], $0x5FFFF  }
0xac: {  	[dreg:$0x1] =	wrdreg $0xFFFFFFFF  }
0xad: {  	[dreg:$0x0] =	wrdreg $0x60  }
0xae: {  	[dreg:$0x2] =	wrdreg s24  }
0xaf: {  	[dreg:$0x3] =	wrdreg s2  }
0xb0: {  	[dreg:$0x4] =	wrdreg $0x9  }
0xb1: {  	_ =	task.clear_ibuf [dreg:s7], $0x5FFFF;
	_ =	strace $0x90000046  }
0xb2: {  	s29 =	simm.s32 $0x9;
	_ =	strace $0x80000048  }
0xb3: {  	_ =	swait.ge [sflag:s29], $0x1  }
0xb4: {  	[sflag:s29] =	ssyncadd.s32 $0xFFFFFFFF  }
0xb5: {  	_ =	strace $0x90000048  }
0xb6: {  	_ =	sfence  }
0xb7: {  	s30 =	sld [smem:$0x0];
	_ =	sdelay $0x2  }
0xb8: {  	s31 =	sshll.u32 s1, $0xD;
	s1 =	sshrl.u32 s1, $0x2  }
0xb9: {  	s3 =	sand.u32 $0x4000, s31;
	s1 =	sadd.s32 s1, s30  }
0xba: {  	s0 =	sor.u32 s3, s0;
	s1 =	sshll.u32 s1, $0x11  }
0xbb: {  	s0 =	sor.u32 s1, s0  }
0xbc: {  	s0 =	sadd.s32 $0x8F2B, s0  }
0xbd: {  	[sflag:s0] =	ssyncadd.remote.s32 $0x1  }
0xbe: {  	_ =	sfence.sel $0xFFFF  }
0xbf: {  	[dreg:$0x0] =	wrdreg $0xFFFFFFFF;
	(pc) =	sbr.abs _section_cstart, $3  }
0xc0: {  	[dreg:$0x1] =	wrdreg $0xFFFFFFFF  }
0xc1: {  	_ =	task.clear_ibuf [dreg:s7], $0x2FFFF;
	_ =	strace $0x9FFFFFFF  }
0xc2: {  	(tm) =	ssettm $0x7FFFFFFF  }
0xc3: {  	_ =	shalt  }
tec
execute0_lowered:
.L_overlay_start_1:
0x0: {  	(tag) =	ssettag $0x1  }
0x1: {  	s5 =	rddreg [dreg:$0x0]  }
0x2: {  	s7 =	rddreg [dreg:$0x1]  }
0x3: {  	s0 =	rddreg [dreg:$0x2]  }
0x4: {  	s2 =	simm.s32 $0x0;
	s3 =	srdreg.scid;
	s1 =	stileid.u32  }
0x5: {  	s12 =	simm.s32 $0x7680;
	s13 =	simm.s32 $0x9E00;
	s14 =	simm.s32 $0x80  }
0x6: {  	s15 =	simm.s32 $0x400;
	s16 =	simm.s32 $0x0;
	[smem:$0x7FF] =	sst s2  }
0x7: {  	s4 =	sand.u32 $0x1, s3;
	s30 =	sshll.u32 s1, $0x1;
	s8 =	sshrl.u32 s1, $0x2  }
0x8: {  	s3 =	sadd.s32 $0x16200, s5;
	_ =	strace $0x80000047;
	s6 =	sor.u32 s4, s30  }
0x9: {  	s8 =	smul.u32 $0x13C00, s8;
	s10 =	ssub.s32 $0x2, s4;
	s4 =	sadd.s32 $0x16800, s5  }
0xa: {  	s9 =	sshll.u32 s6, $0x7;
	s6 =	smul.u32 $0x4E2, s6;
	s11 =	sshrl.u32 s10, $0x1  }
0xb: {  	s9 =	sand.u32 $0x380, s9;
	s31 =	ssub.s32 s10, s11;
	s10 =	simm.s32 $0x2780  }
0xc: {  	s11 =	simm.s32 $0x4F00;
	s8 =	sor.u32 s8, s9;
	s6 =	sadd.s32 s6, s5  }
0xd: {  	s9 =	simm.s32 $0x1;
	s8 =	sshrl.u32 s8, $0x3;
	s5 =	sadd.s32 $0xC400, s6  }
0xe: {  	v0 =	vimm.f32 $0.0e+00;
	s6 =	sadd.s32 $0x2600, s6;
	s7 =	sadd.s32 s7, s8;
	s8 =	smax.u32 s31, $0x1  }
.LBB2_1:
0xf: {  	[tilespmem:s2], [sflag:$0x1] =	stream.linear.gather [hbm4b:s5+s2], $0x2710, $0x38;
	[tilespmem:$0xC580] =	vst v63  }
0x10: {  	_ =	swait.ge [sflag:s9], $0x2710  }
0x11: {  	[sflag:s9] =	ssyncset.done $0x0  }
0x12: {  	[sflag:s9] =	ssyncadd.s32 $0xFFFFD8F0  }
0x13: {  	[tilespmem:s10], [sflag:$0x1] =	stream.linear.gather [hbm4b:s6+s2], $0x2710, $0x38;
	[tilespmem:$0xC580] =	vst v63  }
0x14: {  	_ =	swait.ge [sflag:s9], $0x2710  }
0x15: {  	[sflag:s9] =	ssyncset.done $0x0  }
0x16: {  	[sflag:s9] =	ssyncadd.s32 $0xFFFFD8F0  }
0x17: {  	[tilespmem:s11], [sflag:$0x1] =	stream.linear.gather [hbm4b:s3+s2], $0x2780, $0x38;
	[tilespmem:$0xC580] =	vst v63  }
0x18: {  	_ =	swait.ge [sflag:s9], $0x2780  }
0x19: {  	[sflag:s9] =	ssyncset.done $0x0  }
0x1a: {  	[sflag:s9] =	ssyncadd.s32 $0xFFFFD880  }
0x1b: {  	[tilespmem:s12], [sflag:$0x1] =	stream.linear.gather [hbm4b:s4+s2], $0x2780, $0x38;
	[tilespmem:$0xC580] =	vst v63  }
0x1c: {  	_ =	swait.ge [sflag:s9], $0x2780  }
0x1d: {  	[sflag:s9] =	ssyncset.done $0x0  }
0x1e: {  	s17 =	simm.s32 $0x9E40;
	[sflag:s9] =	ssyncadd.s32 $0xFFFFD880  }
0x1f: {  	[tilespmem:s17+$0xFFFFFFC0] =	vst v0  }
0x20: {  	[tilespmem:s17+$0x30] =	vst v0  }
0x21: {  	[tilespmem:s17+$0x20] =	vst v0  }
0x22: {  	[tilespmem:s17+$0x10] =	vst v0  }
0x23: {  	[tilespmem:s17+$0x0] =	vst v0  }
0x24: {  	[tilespmem:s17+$0xFFFFFFF0] =	vst v0  }
0x25: {  	s18 =	simm.s32 $0x0;
	[tilespmem:s17+$0xFFFFFFE0] =	vst v0  }
.LBB2_2:
0x26: {  	s18 =	sadd.s32 $0x8, s18;
	[tilespmem:s17+$0xFFFFFFD0] =	vst v0;
	s17 =	sadd.s32 $0x80, s17  }
0x27: {  	[tilespmem:s17+$0xFFFFFFC0] =	vst v0;
	p0 =	slt.u32 s18, $0x268  }
0x28: {  	[tilespmem:s17+$0x30] =	vst v0  }
.Ltmp0:
0x29: {  	[tilespmem:s17+$0x20] =	vst v0;
	(pc) =	sbr.rel @p0 .LBB2_2-.Ltmp0, $4  }
0x2a: {  	[tilespmem:s17+$0x10] =	vst v0  }
0x2b: {  	[tilespmem:s17+$0x0] =	vst v0  }
0x2c: {  	[tilespmem:s17+$0xFFFFFFF0] =	vst v0  }
0x2d: {  	[tilespmem:s17+$0xFFFFFFE0] =	vst v0  }
0x2e: {  	[tilespmem:s17+$0xFFFFFFD0] =	vst v0  }
0x2f: {  	s18 =	simm.s32 $0x40;
	[tilespmem:$0xC500] =	vst v0  }
0x30: {  	s17 =	simm.s32 $0x27C0;
	v4 =	vld [tilespmem:s18+$0x30]  }
0x31: {  	v12 =	vld [tilespmem:s17+$0x30]  }
0x32: {  	v1 =	vld [tilespmem:s17+$0xFFFFFFC0]  }
0x33: {  	v8 =	vld [tilespmem:s18+$0xFFFFFFD0]  }
0x34: {  	v2 =	vld [tilespmem:s17+$0xFFFFFFD0]  }
0x35: {  	v9 =	vld [tilespmem:s18+$0xFFFFFFE0]  }
0x36: {  	v3 =	vld [tilespmem:s17+$0xFFFFFFE0]  }
0x37: {  	v10 =	vld [tilespmem:s18+$0xFFFFFFF0]  }
0x38: {  	v14 =	vld [tilespmem:s18+$0x0]  }
0x39: {  	v5 =	vld [tilespmem:s17+$0x0]  }
0x3a: {  	v15 =	vld [tilespmem:s18+$0x10]  }
0x3b: {  	v6 =	vld [tilespmem:s17+$0x10]  }
0x3c: {  	v16 =	vld [tilespmem:s18+$0x20]  }
0x3d: {  	v7 =	vld [tilespmem:s17+$0x20]  }
0x3e: {  	v17 =	vld [tilespmem:s18+$0xFFFFFFC0]  }
0x3f: {  	v11 =	vld.idx.msk [tilespmem:v4+s11+$0x0], $0xffff  }
0x40: {  	v13 =	vld.idx.msk [tilespmem:v12+s12+$0x0], $0xffff  }
0x41: {  	v4 =	vld [tilespmem:s17+$0xFFFFFFF0]  }
0x42: {  	v18 =	vld.idx.msk [tilespmem:v1+s12+$0x0], $0xffff  }
0x43: {  	v8 =	vld.idx.msk [tilespmem:v8+s11+$0x0], $0xffff  }
0x44: {  	v19 =	vld.idx.msk [tilespmem:v2+s12+$0x0], $0xffff  }
0x45: {  	v9 =	vld.idx.msk [tilespmem:v9+s11+$0x0], $0xffff  }
0x46: {  	v10 =	vld.idx.msk [tilespmem:v10+s11+$0x0], $0xffff  }
0x47: {  	v17 =	vld.idx.msk [tilespmem:v17+s11+$0x0], $0xffff;
	v11 =	vadd.f32 v13, v11  }
0x48: {  	v13 =	vld.idx.msk [tilespmem:v3+s12+$0x0], $0xffff  }
0x49: {  	v14 =	vld.idx.msk [tilespmem:v14+s11+$0x0], $0xffff;
	v20 =	vmul.f32 $2.000000030e-01, v11  }
0x4a: {  	v56 =	vld.idx.msk [tilespmem:v5+s12+$0x0], $0xffff;
	vm0 =	vge.f32 v11, $0.0e+00  }
0x4b: {  	v21 =	vld.idx.msk [tilespmem:v4+s12+$0x0], $0xffff;
	v11 =	vsel vm0, v11, v20  }
0x4c: {  	v8 =	vadd.f32 v19, v8;
	v11 =	vmul.f32 $1.442695020e+00, v11  }
0x4d: {  	v17 =	vadd.f32 v18, v17;
	v9 =	vadd.f32 v13, v9;
	v13 =	vld.idx.msk [tilespmem:v15+s11+$0x0], $0xffff  }
0x4e: {  	v15 =	vld.idx.msk [tilespmem:v6+s12+$0x0], $0xffff;
	(erf) = vpow2.f32 v11  }
0x4f: {  	v14 =	vadd.f32 v56, v14;
	v59 =	vmul.f32 $2.000000030e-01, v17;
	v11 =	vmul.f32 $2.000000030e-01, v8  }
0x50: {  	v16 =	vld.idx.msk [tilespmem:v16+s11+$0x0], $0xffff;
	vm0 =	vge.f32 v8, $0.0e+00;
	v57 =	vmul.f32 $2.000000030e-01, v9;
	v10 =	vadd.f32 v21, v10  }
0x51: {  	v62 =	vmul.f32 $2.000000030e-01, v14;
	vm1 =	vge.f32 v9, $0.0e+00;
	v8 =	vsel vm0, v8, v11;
	v11 =	vld.idx.msk [tilespmem:v7+s12+$0x0], $0xffff  }
0x52: {  	v9 =	vsel vm1, v9, v57;
	vm1 =	vge.f32 v17, $0.0e+00;
	v58 =	vmul.f32 $2.000000030e-01, v10  }
0x53: {  	vm0 =	vge.f32 v10, $0.0e+00;
	v60 =	vmul.f32 $1.442695020e+00, v8;
	v13 =	vadd.f32 v15, v13  }
0x54: {  	v61 =	vmul.f32 $1.442695020e+00, v9;
	v8 =	vsel vm0, v10, v58;
	vm0 =	vge.f32 v14, $0.0e+00  }
0x55: {  	v10 =	vsel vm1, v17, v59;
	(erf) = vpow2.f32 v60;
	vm1 =	vge.f32 v13, $0.0e+00  }
0x56: {  	v15 =	vmul.f32 $2.000000030e-01, v13;
	v8 =	vmul.f32 $1.442695020e+00, v8;
	v9 =	vadd.f32 v11, v16  }
0x57: {  	v10 =	vmul.f32 $1.442695020e+00, v10;
	v11 =	vsel vm0, v14, v62;
	v63 =	vpop (erf);
	(erf) = vpow2.f32 v61  }
0x58: {  	s19 =	simm.s32 $0xC0;
	s18 =	simm.s32 $0x0;
	v13 =	vsel vm1, v13, v15;
	vm0 =	vge.f32 v9, $0.0e+00;
	[tilespmem:v12+s13+$0x0] =	vst.idx.add.f32.msk $0xffff, v63;
	v12 =	vmul.f32 $2.000000030e-01, v9  }
.LBB2_4:
0x59: {  	v14 =	vld [tilespmem:s19+$0x30];
	v11 =	vmul.f32 $1.442695020e+00, v11;
	v13 =	vmul.f32 $1.442695020e+00, v13;
	s17 =	sadd.s32 $0x80, s17  }
0x5a: {  	s18 =	sadd.s32 $0x8, s18;
	v15 =	vld [tilespmem:s17+$0x30];
	v9 =	vsel vm0, v9, v12;
	(erf) = vpow2.f32 v10  }
0x5b: {  	p0 =	slt.u32 s18, $0x268;
	v10 =	vld [tilespmem:s17+$0xFFFFFFC0];
	v9 =	vmul.f32 $1.442695020e+00, v9;
	(erf) = vpow2.f32 v8  }
0x5c: {  	v8 =	vld [tilespmem:s19+$0xFFFFFFD0];
	(erf) = vpow2.f32 v11  }
0x5d: {  	v11 =	vld [tilespmem:s17+$0xFFFFFFD0];
	(erf) = vpow2.f32 v13  }
0x5e: {  	v12 =	vld [tilespmem:s19+$0xFFFFFFE0];
	v13 =	vpop (erf);
	(erf) = vpow2.f32 v9  }
0x5f: {  	v9 =	vld [tilespmem:s17+$0xFFFFFFE0]  }
0x60: {  	v16 =	vld [tilespmem:s19+$0xFFFFFFF0];
	v17 =	vpop (erf)  }
0x61: {  	v14 =	vld.idx.msk [tilespmem:v14+s11+$0x0], $0xffff  }
0x62: {  	v18 =	vld.idx.msk [tilespmem:v15+s12+$0x0], $0xffff  }
0x63: {  	v19 =	vld [tilespmem:s17+$0xFFFFFFF0];
	v20 =	vpop (erf)  }
0x64: {  	v21 =	vld [tilespmem:s19+$0x0];
	v22 =	vpop (erf)  }
0x65: {  	v23 =	vld [tilespmem:s17+$0x0];
	v24 =	vpop (erf)  }
0x66: {  	v25 =	vld [tilespmem:s19+$0x10];
	v26 =	vpop (erf)  }
0x67: {  	v27 =	vld [tilespmem:s17+$0x10];
	v28 =	vpop (erf)  }
0x68: {  	v14 =	vadd.f32 v18, v14;
	v29 =	vld [tilespmem:s19+$0x20]  }
0x69: {  	v18 =	vld [tilespmem:s17+$0x20]  }
0x6a: {  	v31 =	vmul.f32 $2.000000030e-01, v14;
	v30 =	vld [tilespmem:s19+$0xFFFFFFC0]  }
0x6b: {  	vm0 =	vge.f32 v14, $0.0e+00;
	v32 =	vld.idx.msk [tilespmem:v10+s12+$0x0], $0xffff  }
0x6c: {  	v14 =	vsel vm0, v14, v31;
	v8 =	vld.idx.msk [tilespmem:v8+s11+$0x0], $0xffff  }
0x6d: {  	v14 =	vmul.f32 $1.442695020e+00, v14;
	v31 =	vld.idx.msk [tilespmem:v11+s12+$0x0], $0xffff  }
0x6e: {  	v12 =	vld.idx.msk [tilespmem:v12+s11+$0x0], $0xffff  }
0x6f: {  	v33 =	vld.idx.msk [tilespmem:v9+s12+$0x0], $0xffff;
	(erf) = vpow2.f32 v14  }
0x70: {  	v14 =	vld.idx.msk [tilespmem:v16+s11+$0x0], $0xffff  }
0x71: {  	v16 =	vld.idx.msk [tilespmem:v19+s12+$0x0], $0xffff  }
0x72: {  	v30 =	vld.idx.msk [tilespmem:v30+s11+$0x0], $0xffff  }
0x73: {  	v8 =	vadd.f32 v31, v8;
	v21 =	vld.idx.msk [tilespmem:v21+s11+$0x0], $0xffff  }
0x74: {  	v31 =	vld.idx.msk [tilespmem:v23+s12+$0x0], $0xffff  }
0x75: {  	vm0 =	vge.f32 v8, $0.0e+00;
	v34 =	vmul.f32 $2.000000030e-01, v8;
	v12 =	vadd.f32 v33, v12;
	v25 =	vld.idx.msk [tilespmem:v25+s11+$0x0], $0xffff  }
0x76: {  	v33 =	vld.idx.msk [tilespmem:v27+s12+$0x0], $0xffff  }
0x77: {  	vm1 =	vge.f32 v12, $0.0e+00;
	v35 =	vmul.f32 $2.000000030e-01, v12;
	v14 =	vadd.f32 v16, v14;
	v16 =	vld.idx.msk [tilespmem:v29+s11+$0x0], $0xffff  }
0x78: {  	v8 =	vsel vm0, v8, v34;
	v29 =	vadd.f32 v32, v30;
	v30 =	vld.idx.msk [tilespmem:v18+s12+$0x0], $0xffff;
	v32 =	vpop (erf)  }
0x79: {  	v12 =	vsel vm1, v12, v35;
	vm0 =	vge.f32 v14, $0.0e+00;
	v34 =	vmul.f32 $2.000000030e-01, v14;
	[tilespmem:v15+s13+$0x0] =	vst.idx.add.f32.msk $0xffff, v32  }
0x7a: {  	vm1 =	vge.f32 v29, $0.0e+00;
	v15 =	vmul.f32 $2.000000030e-01, v29;
	v21 =	vadd.f32 v31, v21;
	[tilespmem:v1+s13+$0x0] =	vst.idx.add.f32.msk $0xffff, v20;
	v1 =	vmovc v10  }
0x7b: {  	v12 =	vmul.f32 $1.442695020e+00, v12;
	v10 =	vmul.f32 $1.442695020e+00, v8;
	v8 =	vsel vm0, v14, v34;
	[tilespmem:v2+s13+$0x0] =	vst.idx.add.f32.msk $0xffff, v13;
	v2 =	vmovc v11  }
.Ltmp1:
0x7c: {  	vm0 =	vge.f32 v21, $0.0e+00;
	v11 =	vmul.f32 $2.000000030e-01, v21;
	v13 =	vadd.f32 v33, v25;
	[tilespmem:v3+s13+$0x0] =	vst.idx.add.f32.msk $0xffff, v17;
	v3 =	vmovc v9;
	(pc) =	sbr.rel @p0 .LBB2_4-.Ltmp1, $4  }
0x7d: {  	v14 =	vsel vm1, v29, v15;
	v8 =	vmul.f32 $1.442695020e+00, v8;
	(erf) = vpow2.f32 v10;
	[tilespmem:v4+s13+$0x0] =	vst.idx.add.f32.msk $0xffff, v22;
	v4 =	vmovc v19  }
0x7e: {  	vm1 =	vge.f32 v13, $0.0e+00;
	v15 =	vmul.f32 $2.000000030e-01, v13;
	v9 =	vadd.f32 v30, v16;
	[tilespmem:v5+s13+$0x0] =	vst.idx.add.f32.msk $0xffff, v24;
	v5 =	vmovc v23  }
0x7f: {  	v10 =	vmul.f32 $1.442695020e+00, v14;
	v11 =	vsel vm0, v21, v11;
	(erf) = vpow2.f32 v12;
	[tilespmem:v6+s13+$0x0] =	vst.idx.add.f32.msk $0xffff, v26;
	v6 =	vmovc v27  }
0x80: {  	s19 =	sadd.s32 $0x80, s19;
	v13 =	vsel vm1, v13, v15;
	vm0 =	vge.f32 v9, $0.0e+00;
	v12 =	vmul.f32 $2.000000030e-01, v9;
	[tilespmem:v7+s13+$0x0] =	vst.idx.add.f32.msk $0xffff, v28;
	v7 =	vmovc v18  }
0x81: {  	(erf) = vpow2.f32 v10;
	v58 =	vmul.f32 $1.442695020e+00, v11  }
0x82: {  	v59 =	vmul.f32 $1.442695020e+00, v13;
	v9 =	vsel vm0, v9, v12;
	(erf) = vpow2.f32 v8  }
0x83: {  	v60 =	vmul.f32 $1.442695020e+00, v9;
	(erf) = vpow2.f32 v58  }
0x84: {  	(erf) = vpow2.f32 v59  }
0x85: {  	(erf) = vpow2.f32 v60;
	_ =	sdelay $0x2  }
0x86: {  	v61 =	vpop (erf)  }
0x87: {  	[tilespmem:v2+s13+$0x0] =	vst.idx.add.f32.msk $0xffff, v61;
	v62 =	vpop (erf)  }
0x88: {  	[tilespmem:v3+s13+$0x0] =	vst.idx.add.f32.msk $0xffff, v62;
	v63 =	vpop (erf)  }
0x89: {  	[tilespmem:v1+s13+$0x0] =	vst.idx.add.f32.msk $0xffff, v63;
	v1 =	vpop (erf)  }
0x8a: {  	v2 =	vpop (erf);
	[tilespmem:v4+s13+$0x0] =	vst.idx.add.f32.msk $0xffff, v1  }
0x8b: {  	v1 =	vpop (erf);
	[tilespmem:v5+s13+$0x0] =	vst.idx.add.f32.msk $0xffff, v2  }
0x8c: {  	v2 =	vpop (erf);
	[tilespmem:v6+s13+$0x0] =	vst.idx.add.f32.msk $0xffff, v1  }
0x8d: {  	[tilespmem:v7+s13+$0x0] =	vst.idx.add.f32.msk $0xffff, v2  }
0x8e: {  	v1 =	vld [tilespmem:$0x2700]  }
0x8f: {  	v2 =	vld [tilespmem:$0x4E80];
	_ =	sdelay $0x6  }
0x90: {  	v1 =	vld.idx.msk [tilespmem:v1+s11+$0x0], $0xffff  }
0x91: {  	v3 =	vld.idx.msk [tilespmem:v2+s12+$0x0], $0xffff;
	_ =	sdelay $0x4  }
0x92: {  	v1 =	vadd.f32 v3, v1;
	_ =	sdelay $0x1  }
0x93: {  	v3 =	vmul.f32 $2.000000030e-01, v1  }
0x94: {  	vm15 =	vge.f32 v1, $0.0e+00  }
0x95: {  	v1 =	vsel vm15, v1, v3  }
0x96: {  	v1 =	vmul.f32 $1.442695020e+00, v1;
	_ =	sdelay $0x1  }
0x97: {  	(erf) = vpow2.f32 v1;
	_ =	sdelay $0x7  }
0x98: {  	s16 =	sadd.s32 $0x1, s16  }
0x99: {  	p0 =	sne.s32 s16, s8;
	v1 =	vpop (erf)  }
.Ltmp2:
0x9a: {  	[tilespmem:v2+s13+$0x0] =	vst.idx.add.f32.msk $0xffff, v1;
	(pc) =	sbr.rel @p0 .LBB2_1-.Ltmp2, $4  }
0x9b: {  	[hbm4b:s7+s14] =	stream.strided.scatter [tilespmem:s13], [sflag:$0x1], $0x2780, s15, s14, $0x38;
	[tilespmem:$0xC580] =	vst v63  }
0x9c: {  	_ =	swait.ge [sflag:s9], $0x2780  }
0x9d: {  	[sflag:s9] =	ssyncset.done $0x0  }
0x9e: {  	[sflag:s9] =	ssyncadd.s32 $0xFFFFD880  }
0x9f: {  	_ =	sfence.sel $0x180000  }
0xa0: {  	[bflag:$0x0] =	sbarrier.arrive $0xFFFF  }
0xa1: {  	p0 =	sne.s32 s1, $0x0;
	_ =	strace $0x90000047  }
0xa2: {  	s0 =	sadd.s32 @!p0 $0x100000, s0;
	[bflag:$0x2] =	sbarrier.arrive $0xFFFF  }
0xa3: {  	[sflag:s0] =	ssyncadd.tile.s32 @!p0 $0x1;
	_ =	shalt  }
.Lfunc_end2:
_tile_overlayer_lowered:
.L_overlay_start_2:
0xa4: {  	(tag) =	ssettag $0x2  }
0xa5: {  	s0 =	rddreg [dreg:$0x0];
	s2 =	stileid.u32  }
0xa6: {  	s1 =	rddreg [dreg:$0x1];
	p0 =	sne.s32 s2, $0x0  }
0xa7: {  	s3 =	rddreg [dreg:$0x2];
	[bflag:$0x3] =	sbarrier.arrive $0xFFFF;
	s2 =	simm.s32 @!p0 $0x1C01  }
0xa8: {  	[timem:s3], [sflag:s2] =	dma.local @!p0 [hbm:s0], s1  }
0xa9: {  	s0 =	simm.s32 @!p0 $0x1  }
0xaa: {  	_ =	swait.ge @!p0 [sflag:s0], s1  }
0xab: {  	s1 =	ssub.s32 @!p0 $0x0, s1;
	[sflag:s0] =	ssyncset.done @!p0 $0x0  }
0xac: {  	[sflag:s0] =	ssyncadd.s32 @!p0 s1  }
0xad: {  	[bflag:$0x3] =	sbarrier.arrive $0xFFFF  }
0xae: {  	_ =	shalt  }

</sc_bundles>
